<compile_context>
chip_gen: v7x
topology: tpu7x:2x2x1
jax: 0.10.2.dev20260603
libtpu: 0.0.44.dev20260713+nightly
codegen_flags: <defaults>
</compile_context>

<pallas_src>
import jax
import jax.numpy as jnp
from jax import lax
from jax.experimental import pallas as pl
from jax.experimental.pallas import tpu as pltpu
from jax.experimental.pallas import tpu_sc as plsc

_LATENT = 64
_MU2 = 7.0
_B = 16384

_info = plsc.get_sparse_core_info()
_NC = _info.num_cores
_NS = _info.num_subcores
_NW = _NC * _NS
_BPW = _B // _NW
_L = _info.num_lanes
_IPAD = _BPW + _L
_D = 4


def _body(uidx_hbm, iidx_hbm, uembt_hbm, iembt_hbm, ubt_hbm, ibt_hbm,
          out_hbm,
          uidx_v, iidx_v,
          up0, up1, up2, up3, ip0, ip1, ip2, ip3,
          ub0, ub1, ub2, ub3, ib0, ib1, ib2, ib3,
          out_v,
          su0, su1, su2, su3, si0, si1, si2, si3,
          sb0, sb1, sb2, sb3):
    wid = lax.axis_index("s") * _NC + lax.axis_index("c")
    base = wid * _BPW

    upan = (up0, up1, up2, up3)
    ipan = (ip0, ip1, ip2, ip3)
    ubp = (ub0, ub1, ub2, ub3)
    ibp = (ib0, ib1, ib2, ib3)
    su = (su0, su1, su2, su3)
    si = (si0, si1, si2, si3)
    sb = (sb0, sb1, sb2, sb3)

    pltpu.sync_copy(uidx_hbm.at[pl.ds(base, _BPW)],
                    uidx_v.at[pl.ds(0, _BPW)])
    pltpu.sync_copy(iidx_hbm.at[pl.ds(base, _BPW)],
                    iidx_v.at[pl.ds(0, _BPW)])

    iota16 = lax.iota(jnp.int32, _L)
    zeros16 = jnp.zeros((_L,), jnp.int32)

    def zinit(g, c):
        out_v[pl.ds(g * _L, _L)] = jnp.zeros((_L,), jnp.float32)
        return c

    lax.fori_loop(0, _BPW // _L, zinit, 0)

    def fetch(r, s):
        ui = uidx_v[pl.ds(r, _L)][0]
        ii = iidx_v[pl.ds(r, _L)][0]
        uoff = pl.multiple_of((ui >> 7) * 128, 128)
        ioff = pl.multiple_of((ii >> 7) * 128, 128)
        pltpu.async_copy(uembt_hbm.at[:, pl.ds(uoff, 128)], upan[s], su[s])
        pltpu.async_copy(iembt_hbm.at[:, pl.ds(ioff, 128)], ipan[s], si[s])
        pltpu.async_copy(ubt_hbm.at[:, pl.ds(uoff, 128)], ubp[s], sb[s])
        pltpu.async_copy(ibt_hbm.at[:, pl.ds(ioff, 128)], ibp[s], sb[s])

    def wait(s):
        pltpu.make_async_copy(uembt_hbm.at[:, pl.ds(0, 128)], upan[s],
                              su[s]).wait()
        pltpu.make_async_copy(iembt_hbm.at[:, pl.ds(0, 128)], ipan[s],
                              si[s]).wait()
        pltpu.make_async_copy(ubt_hbm.at[:, pl.ds(0, 128)], ubp[s],
                              sb[s]).wait()
        pltpu.make_async_copy(ibt_hbm.at[:, pl.ds(0, 128)], ibp[s],
                              sb[s]).wait()

    def compute(r, s):
        ui = uidx_v[pl.ds(r, _L)][0]
        ii = iidx_v[pl.ds(r, _L)][0]
        ulane = zeros16 + (ui & 127)
        ilane = zeros16 + (ii & 127)
        part = jnp.zeros((_L,), jnp.float32)
        for c in range(_LATENT // _L):
            dvec = c * _L + iota16
            du = plsc.load_gather(upan[s], [dvec, ulane])
            di = plsc.load_gather(ipan[s], [dvec, ilane])
            part = part + du * di
        for k in (1, 2, 4, 8):
            perm = lax.gather(
                part, (iota16 ^ k)[:, None],
                dimension_numbers=lax.GatherDimensionNumbers(
                    offset_dims=(), collapsed_slice_dims=(0,),
                    start_index_map=(0,)),
                slice_sizes=(1,),
                mode=lax.GatherScatterMode.PROMISE_IN_BOUNDS)
            part = part + perm
        bu = plsc.load_gather(ubp[s], [zeros16, ulane])
        bi = plsc.load_gather(ibp[s], [zeros16, ilane])
        val = part + bu + bi + _MU2
        gbase = (r >> 4) << 4
        mask = iota16 == (r & 15)
        sl = pl.ds(gbase, _L)
        out_v[sl] = out_v[sl] + jnp.where(mask, val,
                                          jnp.zeros((_L,), jnp.float32))

    for s in range(_D):
        fetch(s, s)

    def step(g, c):
        for s in range(_D):
            r = _D * g + s
            wait(s)
            compute(r, s)

            @pl.when(r + _D < _BPW)
            def _():
                fetch(r + _D, s)

        return c

    _MAIN = _BPW // _D
    lax.fori_loop(0, _MAIN, step, 0)
    for s in range(_BPW - _MAIN * _D):
        wait(s)
        compute(_MAIN * _D + s, s)
    pltpu.sync_copy(out_v, out_hbm.at[pl.ds(base, _BPW)])


def kernel(user_indices, item_indices, user_emb, item_emb, user_bias,
           item_bias):
    mesh = plsc.VectorSubcoreMesh(core_axis_name="c", subcore_axis_name="s")
    pan = pltpu.VMEM((_LATENT, 128), jnp.float32)
    bp = pltpu.VMEM((1, 128), jnp.float32)
    sem = pltpu.SemaphoreType.DMA
    f = pl.kernel(
        _body,
        out_type=jax.ShapeDtypeStruct((_B,), jnp.float32),
        mesh=mesh,
        compiler_params=pltpu.CompilerParams(
            needs_layout_passes=False, use_tc_tiling_on_sc=True),
        scratch_types=(
            [pltpu.VMEM((_IPAD,), jnp.int32)] * 2
            + [pan] * 8 + [bp] * 8
            + [pltpu.VMEM((_BPW,), jnp.float32)]
            + [sem] * 12
        ),
    )
    return f(user_indices.astype(jnp.int32), item_indices.astype(jnp.int32),
             user_emb.T, item_emb.T, user_bias.T, item_bias.T)

# --- scband reference (transcript-rebuilt; emitter-appended) ---
"""Pipeline reference for scband-bias-mf-76845554860858 (READ-ONLY COPY).

The authoritative reference and input builder live on the scoring server;
editing this copy changes nothing except your own understanding.
"""

import jax, jax.numpy as jnp
import numpy as np

NUM_USERS = 1000000
NUM_ITEMS = 1000000
LATENT_DIM = 64
MU = 3.5
BATCH = 16384


def setup_inputs(seed: int = 0) -> dict:
    key = jax.random.key(seed)
    k1, k2, k3, k4 = jax.random.split(key, 4)
    user_indices = jax.random.randint(k1, (BATCH,), 0, NUM_USERS, dtype=jnp.int64 if jax.config.jax_enable_x64 else jnp.int32)
    item_indices = jax.random.randint(k2, (BATCH,), 0, NUM_ITEMS, dtype=jnp.int64 if jax.config.jax_enable_x64 else jnp.int32)
    user_emb = jax.random.normal(k3, (NUM_USERS, LATENT_DIM), dtype=jnp.float32)
    item_emb = jax.random.normal(k4, (NUM_ITEMS, LATENT_DIM), dtype=jnp.float32)
    user_bias = jnp.zeros((NUM_USERS, 1), dtype=jnp.float32)
    item_bias = jnp.zeros((NUM_ITEMS, 1), dtype=jnp.float32)
    return {
        "user_indices": user_indices,
        "item_indices": item_indices,
        "user_emb": user_emb,
        "item_emb": item_emb,
        "user_bias": user_bias,
        "item_bias": item_bias,
    }


def reference(user_indices, item_indices, user_emb, item_emb, user_bias, item_bias):
    user_vec = jnp.take(user_emb, user_indices, axis=0)
    item_vec = jnp.take(item_emb, item_indices, axis=0)
    dot = jnp.sum(user_vec * item_vec, axis=-1)
    ub = jnp.take(user_bias, user_indices, axis=0).reshape(-1)
    ib = jnp.take(item_bias, item_indices, axis=0).reshape(-1)
    rating = dot + MU + ub + ib + MU
    return rating

if __name__ == "__main__":
    import jax
    _d = setup_inputs()
    print(jax.jit(kernel)(*tuple(_d.values())))

</pallas_src>

<mosaic_0001>
#map = affine_map<(d0, d1) -> (0)>
#map1 = affine_map<(d0, d1) -> (0, 0)>
module attributes {stable_mosaic.version = 14 : i64} {
  func.func @_body(%arg0: i32, %arg1: i32, %arg2: memref<16384xi32, #tpu.memory_space<hbm>>, %arg3: memref<16384xi32, #tpu.memory_space<hbm>>, %arg4: memref<64x1000000xf32, #tpu.memory_space<hbm>>, %arg5: memref<64x1000000xf32, #tpu.memory_space<hbm>>, %arg6: memref<1x1000000xf32, #tpu.memory_space<hbm>>, %arg7: memref<1x1000000xf32, #tpu.memory_space<hbm>>, %arg8: memref<16384xf32, #tpu.memory_space<hbm>>, %arg9: memref<528xi32, #tpu.memory_space<vmem>>, %arg10: memref<528xi32, #tpu.memory_space<vmem>>, %arg11: memref<64x128xf32, #tpu.memory_space<vmem>>, %arg12: memref<64x128xf32, #tpu.memory_space<vmem>>, %arg13: memref<64x128xf32, #tpu.memory_space<vmem>>, %arg14: memref<64x128xf32, #tpu.memory_space<vmem>>, %arg15: memref<64x128xf32, #tpu.memory_space<vmem>>, %arg16: memref<64x128xf32, #tpu.memory_space<vmem>>, %arg17: memref<64x128xf32, #tpu.memory_space<vmem>>, %arg18: memref<64x128xf32, #tpu.memory_space<vmem>>, %arg19: memref<1x128xf32, #tpu.memory_space<vmem>>, %arg20: memref<1x128xf32, #tpu.memory_space<vmem>>, %arg21: memref<1x128xf32, #tpu.memory_space<vmem>>, %arg22: memref<1x128xf32, #tpu.memory_space<vmem>>, %arg23: memref<1x128xf32, #tpu.memory_space<vmem>>, %arg24: memref<1x128xf32, #tpu.memory_space<vmem>>, %arg25: memref<1x128xf32, #tpu.memory_space<vmem>>, %arg26: memref<1x128xf32, #tpu.memory_space<vmem>>, %arg27: memref<512xf32, #tpu.memory_space<vmem>>, %arg28: memref<!tpu.dma_semaphore, #tpu.memory_space<semaphore_mem>>, %arg29: memref<!tpu.dma_semaphore, #tpu.memory_space<semaphore_mem>>, %arg30: memref<!tpu.dma_semaphore, #tpu.memory_space<semaphore_mem>>, %arg31: memref<!tpu.dma_semaphore, #tpu.memory_space<semaphore_mem>>, %arg32: memref<!tpu.dma_semaphore, #tpu.memory_space<semaphore_mem>>, %arg33: memref<!tpu.dma_semaphore, #tpu.memory_space<semaphore_mem>>, %arg34: memref<!tpu.dma_semaphore, #tpu.memory_space<semaphore_mem>>, %arg35: memref<!tpu.dma_semaphore, #tpu.memory_space<semaphore_mem>>, %arg36: memref<!tpu.dma_semaphore, #tpu.memory_space<semaphore_mem>>, %arg37: memref<!tpu.dma_semaphore, #tpu.memory_space<semaphore_mem>>, %arg38: memref<!tpu.dma_semaphore, #tpu.memory_space<semaphore_mem>>, %arg39: memref<!tpu.dma_semaphore, #tpu.memory_space<semaphore_mem>>) attributes {dimension_semantics = [#tpu.dimension_semantics<core_parallel>, #tpu.dimension_semantics<subcore_parallel>], iteration_bounds = array<i64: 2, 16>, scalar_prefetch = 0 : i64, scratch_operands = 31 : i64, tpu.core_type = #tpu.core_type<sc_vector_subcore>, window_params = [{transform_indices = #map}, {transform_indices = #map}, {transform_indices = #map1}, {transform_indices = #map1}, {transform_indices = #map1}, {transform_indices = #map1}, {transform_indices = #map}]} {
    %mul3A = arith.constant 2 : i32
    %mul3A_0 = arith.muli %arg1, %mul3A : i32
    %add3A = arith.addi %mul3A_0, %arg0 : i32
    %mul3A_1 = arith.constant 512 : i32
    %mul3A_2 = arith.muli %add3A, %mul3A_1 : i32
    "tpu.region"() ({
      %run_scoped3A = tpu.sem_alloc : memref<!tpu.dma_semaphore, #tpu.memory_space<semaphore_mem>>
      %dma_start3A_145 = arith.constant 0 : i32
      %dma_start3A_146 = tpu.memref_slice %arg9[%dma_start3A_145] : memref<528xi32, #tpu.memory_space<vmem>> -> memref<512xi32, #tpu.memory_space<vmem>>
      %dma_start3A_147 = tpu.memref_slice %arg2[%mul3A_2] : memref<16384xi32, #tpu.memory_space<hbm>> -> memref<512xi32, #tpu.memory_space<hbm>>
      %dma_start3A_148 = arith.constant 0 : i32
      %dma_start3A_149 = tpu.memref_slice %arg9[%dma_start3A_148] : memref<528xi32, #tpu.memory_space<vmem>> -> memref<512xi32, #tpu.memory_space<vmem>>
      %dma_start3A_150 = tpu.memref_slice %arg2[%mul3A_2] : memref<16384xi32, #tpu.memory_space<hbm>> -> memref<512xi32, #tpu.memory_space<hbm>>
      tpu.enqueue_dma source(%dma_start3A_150 : memref<512xi32, #tpu.memory_space<hbm>>) target(%dma_start3A_149 : memref<512xi32, #tpu.memory_space<vmem>>) target_semaphore(%run_scoped3A : memref<!tpu.dma_semaphore, #tpu.memory_space<semaphore_mem>>)
      %dma_wait3A = arith.constant 0 : i32
      %dma_wait3A_151 = tpu.memref_slice %arg9[%dma_wait3A] : memref<528xi32, #tpu.memory_space<vmem>> -> memref<512xi32, #tpu.memory_space<vmem>>
      %dma_wait3A_152 = tpu.memref_slice %arg2[%mul3A_2] : memref<16384xi32, #tpu.memory_space<hbm>> -> memref<512xi32, #tpu.memory_space<hbm>>
      %dma_wait3A_153 = arith.constant 0 : i32
      %dma_wait3A_154 = tpu.memref_slice %arg9[%dma_wait3A_153] : memref<528xi32, #tpu.memory_space<vmem>> -> memref<512xi32, #tpu.memory_space<vmem>>
      %dma_wait3A_155 = tpu.memref_slice %arg2[%mul3A_2] : memref<16384xi32, #tpu.memory_space<hbm>> -> memref<512xi32, #tpu.memory_space<hbm>>
      tpu.wait_dma2 semaphore(%run_scoped3A : memref<!tpu.dma_semaphore, #tpu.memory_space<semaphore_mem>>) src(%dma_wait3A_155 : memref<512xi32, #tpu.memory_space<hbm>>) dst(%dma_wait3A_154 : memref<512xi32, #tpu.memory_space<vmem>>)
      tpu.yield
    }) : () -> ()
    "tpu.region"() ({
      %run_scoped3A = tpu.sem_alloc : memref<!tpu.dma_semaphore, #tpu.memory_space<semaphore_mem>>
      %dma_start3A_145 = arith.constant 0 : i32
      %dma_start3A_146 = tpu.memref_slice %arg10[%dma_start3A_145] : memref<528xi32, #tpu.memory_space<vmem>> -> memref<512xi32, #tpu.memory_space<vmem>>
      %dma_start3A_147 = tpu.memref_slice %arg3[%mul3A_2] : memref<16384xi32, #tpu.memory_space<hbm>> -> memref<512xi32, #tpu.memory_space<hbm>>
      %dma_start3A_148 = arith.constant 0 : i32
      %dma_start3A_149 = tpu.memref_slice %arg10[%dma_start3A_148] : memref<528xi32, #tpu.memory_space<vmem>> -> memref<512xi32, #tpu.memory_space<vmem>>
      %dma_start3A_150 = tpu.memref_slice %arg3[%mul3A_2] : memref<16384xi32, #tpu.memory_space<hbm>> -> memref<512xi32, #tpu.memory_space<hbm>>
      tpu.enqueue_dma source(%dma_start3A_150 : memref<512xi32, #tpu.memory_space<hbm>>) target(%dma_start3A_149 : memref<512xi32, #tpu.memory_space<vmem>>) target_semaphore(%run_scoped3A : memref<!tpu.dma_semaphore, #tpu.memory_space<semaphore_mem>>)
      %dma_wait3A = arith.constant 0 : i32
      %dma_wait3A_151 = tpu.memref_slice %arg10[%dma_wait3A] : memref<528xi32, #tpu.memory_space<vmem>> -> memref<512xi32, #tpu.memory_space<vmem>>
      %dma_wait3A_152 = tpu.memref_slice %arg3[%mul3A_2] : memref<16384xi32, #tpu.memory_space<hbm>> -> memref<512xi32, #tpu.memory_space<hbm>>
      %dma_wait3A_153 = arith.constant 0 : i32
      %dma_wait3A_154 = tpu.memref_slice %arg10[%dma_wait3A_153] : memref<528xi32, #tpu.memory_space<vmem>> -> memref<512xi32, #tpu.memory_space<vmem>>
      %dma_wait3A_155 = tpu.memref_slice %arg3[%mul3A_2] : memref<16384xi32, #tpu.memory_space<hbm>> -> memref<512xi32, #tpu.memory_space<hbm>>
      tpu.wait_dma2 semaphore(%run_scoped3A : memref<!tpu.dma_semaphore, #tpu.memory_space<semaphore_mem>>) src(%dma_wait3A_155 : memref<512xi32, #tpu.memory_space<hbm>>) dst(%dma_wait3A_154 : memref<512xi32, #tpu.memory_space<vmem>>)
      tpu.yield
    }) : () -> ()
    %iota3A = tpu.iota {dimensions = array<i32: 0>} : vector<16xi32>
    %broadcast_in_dim3A = arith.constant 0 : i32
    %broadcast_in_dim3A_3 = vector.broadcast %broadcast_in_dim3A : i32 to vector<16xi32>
    %scan3A = arith.constant 0 : i32
    %scan3A_4 = arith.constant 0 : i32
    %scan3A_5 = arith.constant 32 : i32
    %scan3A_6 = arith.addi %scan3A_4, %scan3A_5 : i32
    %scan3A_7 = arith.constant 1 : i32
    scf.for %scan3A_145 = %scan3A_4 to %scan3A_6 step %scan3A_7  : i32 {
      %broadcast_in_dim3A_146 = arith.constant 0.000000e+00 : f32
      %broadcast_in_dim3A_147 = vector.broadcast %broadcast_in_dim3A_146 : f32 to vector<16xf32>
      %mul3A_148 = arith.constant 16 : i32
      %mul3A_149 = arith.muli %scan3A_145, %mul3A_148 : i32
      %swap3A = arith.index_cast %mul3A_149 : i32 to index
      %swap3A_150 = tpu.vector_load %arg27[%swap3A] {strides = array<i32>} : memref<512xf32, #tpu.memory_space<vmem>>, vector<16xf32>,
      tpu.vector_store %arg27[%swap3A], %broadcast_in_dim3A_147 {strides = array<i32>} : memref<512xf32, #tpu.memory_space<vmem>>, vector<16xf32>,
    }
    %scan3A_8 = arith.constant 32 : i32
    %get3A = arith.constant 0 : index
    %get3A_9 = tpu.vector_load %arg9[%get3A] {strides = array<i32>} : memref<528xi32, #tpu.memory_space<vmem>>, vector<16xi32>,
    %slice3A = vector.extract_strided_slice %get3A_9 {offsets = [0], sizes = [1], strides = [1]} : vector<16xi32> to vector<1xi32>
    %squeeze3A = vector.extract %slice3A[0] : i32 from vector<1xi32>
    %get3A_10 = arith.constant 0 : index
    %get3A_11 = tpu.vector_load %arg10[%get3A_10] {strides = array<i32>} : memref<528xi32, #tpu.memory_space<vmem>>, vector<16xi32>,
    %slice3A_12 = vector.extract_strided_slice %get3A_11 {offsets = [0], sizes = [1], strides = [1]} : vector<16xi32> to vector<1xi32>
    %squeeze3A_13 = vector.extract %slice3A_12[0] : i32 from vector<1xi32>
    %shift_right_arithmetic3A = arith.constant 7 : i32
    %shift_right_arithmetic3A_14 = arith.shrsi %squeeze3A, %shift_right_arithmetic3A : i32
    %mul3A_15 = arith.constant 128 : i32
    %mul3A_16 = arith.muli %shift_right_arithmetic3A_14, %mul3A_15 : i32
    %multiple_of3A = tpu.assume_multiple %mul3A_16, 128 : i32
    %shift_right_arithmetic3A_17 = arith.constant 7 : i32
    %shift_right_arithmetic3A_18 = arith.shrsi %squeeze3A_13, %shift_right_arithmetic3A_17 : i32
    %mul3A_19 = arith.constant 128 : i32
    %mul3A_20 = arith.muli %shift_right_arithmetic3A_18, %mul3A_19 : i32
    %multiple_of3A_21 = tpu.assume_multiple %mul3A_20, 128 : i32
    %dma_start3A = arith.constant 0 : i32
    %dma_start3A_22 = tpu.memref_slice %arg4[%dma_start3A, %multiple_of3A] : memref<64x1000000xf32, #tpu.memory_space<hbm>> -> memref<64x128xf32, #tpu.memory_space<hbm>>
    %dma_start3A_23 = arith.constant 0 : i32
    %dma_start3A_24 = tpu.memref_slice %arg4[%dma_start3A_23, %multiple_of3A] : memref<64x1000000xf32, #tpu.memory_space<hbm>> -> memref<64x128xf32, #tpu.memory_space<hbm>>
    tpu.enqueue_dma source(%dma_start3A_24 : memref<64x128xf32, #tpu.memory_space<hbm>>) target(%arg11 : memref<64x128xf32, #tpu.memory_space<vmem>>) target_semaphore(%arg28 : memref<!tpu.dma_semaphore, #tpu.memory_space<semaphore_mem>>)
    %dma_start3A_25 = arith.constant 0 : i32
    %dma_start3A_26 = tpu.memref_slice %arg5[%dma_start3A_25, %multiple_of3A_21] : memref<64x1000000xf32, #tpu.memory_space<hbm>> -> memref<64x128xf32, #tpu.memory_space<hbm>>
    %dma_start3A_27 = arith.constant 0 : i32
    %dma_start3A_28 = tpu.memref_slice %arg5[%dma_start3A_27, %multiple_of3A_21] : memref<64x1000000xf32, #tpu.memory_space<hbm>> -> memref<64x128xf32, #tpu.memory_space<hbm>>
    tpu.enqueue_dma source(%dma_start3A_28 : memref<64x128xf32, #tpu.memory_space<hbm>>) target(%arg15 : memref<64x128xf32, #tpu.memory_space<vmem>>) target_semaphore(%arg32 : memref<!tpu.dma_semaphore, #tpu.memory_space<semaphore_mem>>)
    %dma_start3A_29 = arith.constant 0 : i32
    %dma_start3A_30 = tpu.memref_slice %arg6[%dma_start3A_29, %multiple_of3A] : memref<1x1000000xf32, #tpu.memory_space<hbm>> -> memref<1x128xf32, #tpu.memory_space<hbm>>
    %dma_start3A_31 = arith.constant 0 : i32
    %dma_start3A_32 = tpu.memref_slice %arg6[%dma_start3A_31, %multiple_of3A] : memref<1x1000000xf32, #tpu.memory_space<hbm>> -> memref<1x128xf32, #tpu.memory_space<hbm>>
    tpu.enqueue_dma source(%dma_start3A_32 : memref<1x128xf32, #tpu.memory_space<hbm>>) target(%arg19 : memref<1x128xf32, #tpu.memory_space<vmem>>) target_semaphore(%arg36 : memref<!tpu.dma_semaphore, #tpu.memory_space<semaphore_mem>>)
    %dma_start3A_33 = arith.constant 0 : i32
    %dma_start3A_34 = tpu.memref_slice %arg7[%dma_start3A_33, %multiple_of3A_21] : memref<1x1000000xf32, #tpu.memory_space<hbm>> -> memref<1x128xf32, #tpu.memory_space<hbm>>
    %dma_start3A_35 = arith.constant 0 : i32
    %dma_start3A_36 = tpu.memref_slice %arg7[%dma_start3A_35, %multiple_of3A_21] : memref<1x1000000xf32, #tpu.memory_space<hbm>> -> memref<1x128xf32, #tpu.memory_space<hbm>>
    tpu.enqueue_dma source(%dma_start3A_36 : memref<1x128xf32, #tpu.memory_space<hbm>>) target(%arg23 : memref<1x128xf32, #tpu.memory_space<vmem>>) target_semaphore(%arg36 : memref<!tpu.dma_semaphore, #tpu.memory_space<semaphore_mem>>)
    %get3A_37 = arith.constant 1 : index
    %get3A_38 = tpu.vector_load %arg9[%get3A_37] {strides = array<i32>} : memref<528xi32, #tpu.memory_space<vmem>>, vector<16xi32>,
    %slice3A_39 = vector.extract_strided_slice %get3A_38 {offsets = [0], sizes = [1], strides = [1]} : vector<16xi32> to vector<1xi32>
    %squeeze3A_40 = vector.extract %slice3A_39[0] : i32 from vector<1xi32>
    %get3A_41 = arith.constant 1 : index
    %get3A_42 = tpu.vector_load %arg10[%get3A_41] {strides = array<i32>} : memref<528xi32, #tpu.memory_space<vmem>>, vector<16xi32>,
    %slice3A_43 = vector.extract_strided_slice %get3A_42 {offsets = [0], sizes = [1], strides = [1]} : vector<16xi32> to vector<1xi32>
    %squeeze3A_44 = vector.extract %slice3A_43[0] : i32 from vector<1xi32>
    %shift_right_arithmetic3A_45 = arith.constant 7 : i32
    %shift_right_arithmetic3A_46 = arith.shrsi %squeeze3A_40, %shift_right_arithmetic3A_45 : i32
    %mul3A_47 = arith.constant 128 : i32
    %mul3A_48 = arith.muli %shift_right_arithmetic3A_46, %mul3A_47 : i32
    %multiple_of3A_49 = tpu.assume_multiple %mul3A_48, 128 : i32
    %shift_right_arithmetic3A_50 = arith.constant 7 : i32
    %shift_right_arithmetic3A_51 = arith.shrsi %squeeze3A_44, %shift_right_arithmetic3A_50 : i32
    %mul3A_52 = arith.constant 128 : i32
    %mul3A_53 = arith.muli %shift_right_arithmetic3A_51, %mul3A_52 : i32
    %multiple_of3A_54 = tpu.assume_multiple %mul3A_53, 128 : i32
    %dma_start3A_55 = arith.constant 0 : i32
    %dma_start3A_56 = tpu.memref_slice %arg4[%dma_start3A_55, %multiple_of3A_49] : memref<64x1000000xf32, #tpu.memory_space<hbm>> -> memref<64x128xf32, #tpu.memory_space<hbm>>
    %dma_start3A_57 = arith.constant 0 : i32
    %dma_start3A_58 = tpu.memref_slice %arg4[%dma_start3A_57, %multiple_of3A_49] : memref<64x1000000xf32, #tpu.memory_space<hbm>> -> memref<64x128xf32, #tpu.memory_space<hbm>>
    tpu.enqueue_dma source(%dma_start3A_58 : memref<64x128xf32, #tpu.memory_space<hbm>>) target(%arg12 : memref<64x128xf32, #tpu.memory_space<vmem>>) target_semaphore(%arg29 : memref<!tpu.dma_semaphore, #tpu.memory_space<semaphore_mem>>)
    %dma_start3A_59 = arith.constant 0 : i32
    %dma_start3A_60 = tpu.memref_slice %arg5[%dma_start3A_59, %multiple_of3A_54] : memref<64x1000000xf32, #tpu.memory_space<hbm>> -> memref<64x128xf32, #tpu.memory_space<hbm>>
    %dma_start3A_61 = arith.constant 0 : i32
    %dma_start3A_62 = tpu.memref_slice %arg5[%dma_start3A_61, %multiple_of3A_54] : memref<64x1000000xf32, #tpu.memory_space<hbm>> -> memref<64x128xf32, #tpu.memory_space<hbm>>
    tpu.enqueue_dma source(%dma_start3A_62 : memref<64x128xf32, #tpu.memory_space<hbm>>) target(%arg16 : memref<64x128xf32, #tpu.memory_space<vmem>>) target_semaphore(%arg33 : memref<!tpu.dma_semaphore, #tpu.memory_space<semaphore_mem>>)
    %dma_start3A_63 = arith.constant 0 : i32
    %dma_start3A_64 = tpu.memref_slice %arg6[%dma_start3A_63, %multiple_of3A_49] : memref<1x1000000xf32, #tpu.memory_space<hbm>> -> memref<1x128xf32, #tpu.memory_space<hbm>>
    %dma_start3A_65 = arith.constant 0 : i32
    %dma_start3A_66 = tpu.memref_slice %arg6[%dma_start3A_65, %multiple_of3A_49] : memref<1x1000000xf32, #tpu.memory_space<hbm>> -> memref<1x128xf32, #tpu.memory_space<hbm>>
    tpu.enqueue_dma source(%dma_start3A_66 : memref<1x128xf32, #tpu.memory_space<hbm>>) target(%arg20 : memref<1x128xf32, #tpu.memory_space<vmem>>) target_semaphore(%arg37 : memref<!tpu.dma_semaphore, #tpu.memory_space<semaphore_mem>>)
    %dma_start3A_67 = arith.constant 0 : i32
    %dma_start3A_68 = tpu.memref_slice %arg7[%dma_start3A_67, %multiple_of3A_54] : memref<1x1000000xf32, #tpu.memory_space<hbm>> -> memref<1x128xf32, #tpu.memory_space<hbm>>
    %dma_start3A_69 = arith.constant 0 : i32
    %dma_start3A_70 = tpu.memref_slice %arg7[%dma_start3A_69, %multiple_of3A_54] : memref<1x1000000xf32, #tpu.memory_space<hbm>> -> memref<1x128xf32, #tpu.memory_space<hbm>>
    tpu.enqueue_dma source(%dma_start3A_70 : memref<1x128xf32, #tpu.memory_space<hbm>>) target(%arg24 : memref<1x128xf32, #tpu.memory_space<vmem>>) target_semaphore(%arg37 : memref<!tpu.dma_semaphore, #tpu.memory_space<semaphore_mem>>)
    %get3A_71 = arith.constant 2 : index
    %get3A_72 = tpu.vector_load %arg9[%get3A_71] {strides = array<i32>} : memref<528xi32, #tpu.memory_space<vmem>>, vector<16xi32>,
    %slice3A_73 = vector.extract_strided_slice %get3A_72 {offsets = [0], sizes = [1], strides = [1]} : vector<16xi32> to vector<1xi32>
    %squeeze3A_74 = vector.extract %slice3A_73[0] : i32 from vector<1xi32>
    %get3A_75 = arith.constant 2 : index
    %get3A_76 = tpu.vector_load %arg10[%get3A_75] {strides = array<i32>} : memref<528xi32, #tpu.memory_space<vmem>>, vector<16xi32>,
    %slice3A_77 = vector.extract_strided_slice %get3A_76 {offsets = [0], sizes = [1], strides = [1]} : vector<16xi32> to vector<1xi32>
    %squeeze3A_78 = vector.extract %slice3A_77[0] : i32 from vector<1xi32>
    %shift_right_arithmetic3A_79 = arith.constant 7 : i32
    %shift_right_arithmetic3A_80 = arith.shrsi %squeeze3A_74, %shift_right_arithmetic3A_79 : i32
    %mul3A_81 = arith.constant 128 : i32
    %mul3A_82 = arith.muli %shift_right_arithmetic3A_80, %mul3A_81 : i32
    %multiple_of3A_83 = tpu.assume_multiple %mul3A_82, 128 : i32
    %shift_right_arithmetic3A_84 = arith.constant 7 : i32
    %shift_right_arithmetic3A_85 = arith.shrsi %squeeze3A_78, %shift_right_arithmetic3A_84 : i32
    %mul3A_86 = arith.constant 128 : i32
    %mul3A_87 = arith.muli %shift_right_arithmetic3A_85, %mul3A_86 : i32
    %multiple_of3A_88 = tpu.assume_multiple %mul3A_87, 128 : i32
    %dma_start3A_89 = arith.constant 0 : i32
    %dma_start3A_90 = tpu.memref_slice %arg4[%dma_start3A_89, %multiple_of3A_83] : memref<64x1000000xf32, #tpu.memory_space<hbm>> -> memref<64x128xf32, #tpu.memory_space<hbm>>
    %dma_start3A_91 = arith.constant 0 : i32
    %dma_start3A_92 = tpu.memref_slice %arg4[%dma_start3A_91, %multiple_of3A_83] : memref<64x1000000xf32, #tpu.memory_space<hbm>> -> memref<64x128xf32, #tpu.memory_space<hbm>>
    tpu.enqueue_dma source(%dma_start3A_92 : memref<64x128xf32, #tpu.memory_space<hbm>>) target(%arg13 : memref<64x128xf32, #tpu.memory_space<vmem>>) target_semaphore(%arg30 : memref<!tpu.dma_semaphore, #tpu.memory_space<semaphore_mem>>)
    %dma_start3A_93 = arith.constant 0 : i32
    %dma_start3A_94 = tpu.memref_slice %arg5[%dma_start3A_93, %multiple_of3A_88] : memref<64x1000000xf32, #tpu.memory_space<hbm>> -> memref<64x128xf32, #tpu.memory_space<hbm>>
    %dma_start3A_95 = arith.constant 0 : i32
    %dma_start3A_96 = tpu.memref_slice %arg5[%dma_start3A_95, %multiple_of3A_88] : memref<64x1000000xf32, #tpu.memory_space<hbm>> -> memref<64x128xf32, #tpu.memory_space<hbm>>
    tpu.enqueue_dma source(%dma_start3A_96 : memref<64x128xf32, #tpu.memory_space<hbm>>) target(%arg17 : memref<64x128xf32, #tpu.memory_space<vmem>>) target_semaphore(%arg34 : memref<!tpu.dma_semaphore, #tpu.memory_space<semaphore_mem>>)
    %dma_start3A_97 = arith.constant 0 : i32
    %dma_start3A_98 = tpu.memref_slice %arg6[%dma_start3A_97, %multiple_of3A_83] : memref<1x1000000xf32, #tpu.memory_space<hbm>> -> memref<1x128xf32, #tpu.memory_space<hbm>>
    %dma_start3A_99 = arith.constant 0 : i32
    %dma_start3A_100 = tpu.memref_slice %arg6[%dma_start3A_99, %multiple_of3A_83] : memref<1x1000000xf32, #tpu.memory_space<hbm>> -> memref<1x128xf32, #tpu.memory_space<hbm>>
    tpu.enqueue_dma source(%dma_start3A_100 : memref<1x128xf32, #tpu.memory_space<hbm>>) target(%arg21 : memref<1x128xf32, #tpu.memory_space<vmem>>) target_semaphore(%arg38 : memref<!tpu.dma_semaphore, #tpu.memory_space<semaphore_mem>>)
    %dma_start3A_101 = arith.constant 0 : i32
    %dma_start3A_102 = tpu.memref_slice %arg7[%dma_start3A_101, %multiple_of3A_88] : memref<1x1000000xf32, #tpu.memory_space<hbm>> -> memref<1x128xf32, #tpu.memory_space<hbm>>
    %dma_start3A_103 = arith.constant 0 : i32
    %dma_start3A_104 = tpu.memref_slice %arg7[%dma_start3A_103, %multiple_of3A_88] : memref<1x1000000xf32, #tpu.memory_space<hbm>> -> memref<1x128xf32, #tpu.memory_space<hbm>>
    tpu.enqueue_dma source(%dma_start3A_104 : memref<1x128xf32, #tpu.memory_space<hbm>>) target(%arg25 : memref<1x128xf32, #tpu.memory_space<vmem>>) target_semaphore(%arg38 : memref<!tpu.dma_semaphore, #tpu.memory_space<semaphore_mem>>)
    %get3A_105 = arith.constant 3 : index
    %get3A_106 = tpu.vector_load %arg9[%get3A_105] {strides = array<i32>} : memref<528xi32, #tpu.memory_space<vmem>>, vector<16xi32>,
    %slice3A_107 = vector.extract_strided_slice %get3A_106 {offsets = [0], sizes = [1], strides = [1]} : vector<16xi32> to vector<1xi32>
    %squeeze3A_108 = vector.extract %slice3A_107[0] : i32 from vector<1xi32>
    %get3A_109 = arith.constant 3 : index
    %get3A_110 = tpu.vector_load %arg10[%get3A_109] {strides = array<i32>} : memref<528xi32, #tpu.memory_space<vmem>>, vector<16xi32>,
    %slice3A_111 = vector.extract_strided_slice %get3A_110 {offsets = [0], sizes = [1], strides = [1]} : vector<16xi32> to vector<1xi32>
    %squeeze3A_112 = vector.extract %slice3A_111[0] : i32 from vector<1xi32>
    %shift_right_arithmetic3A_113 = arith.constant 7 : i32
    %shift_right_arithmetic3A_114 = arith.shrsi %squeeze3A_108, %shift_right_arithmetic3A_113 : i32
    %mul3A_115 = arith.constant 128 : i32
    %mul3A_116 = arith.muli %shift_right_arithmetic3A_114, %mul3A_115 : i32
    %multiple_of3A_117 = tpu.assume_multiple %mul3A_116, 128 : i32
    %shift_right_arithmetic3A_118 = arith.constant 7 : i32
    %shift_right_arithmetic3A_119 = arith.shrsi %squeeze3A_112, %shift_right_arithmetic3A_118 : i32
    %mul3A_120 = arith.constant 128 : i32
    %mul3A_121 = arith.muli %shift_right_arithmetic3A_119, %mul3A_120 : i32
    %multiple_of3A_122 = tpu.assume_multiple %mul3A_121, 128 : i32
    %dma_start3A_123 = arith.constant 0 : i32
    %dma_start3A_124 = tpu.memref_slice %arg4[%dma_start3A_123, %multiple_of3A_117] : memref<64x1000000xf32, #tpu.memory_space<hbm>> -> memref<64x128xf32, #tpu.memory_space<hbm>>
    %dma_start3A_125 = arith.constant 0 : i32
    %dma_start3A_126 = tpu.memref_slice %arg4[%dma_start3A_125, %multiple_of3A_117] : memref<64x1000000xf32, #tpu.memory_space<hbm>> -> memref<64x128xf32, #tpu.memory_space<hbm>>
    tpu.enqueue_dma source(%dma_start3A_126 : memref<64x128xf32, #tpu.memory_space<hbm>>) target(%arg14 : memref<64x128xf32, #tpu.memory_space<vmem>>) target_semaphore(%arg31 : memref<!tpu.dma_semaphore, #tpu.memory_space<semaphore_mem>>)
    %dma_start3A_127 = arith.constant 0 : i32
    %dma_start3A_128 = tpu.memref_slice %arg5[%dma_start3A_127, %multiple_of3A_122] : memref<64x1000000xf32, #tpu.memory_space<hbm>> -> memref<64x128xf32, #tpu.memory_space<hbm>>
    %dma_start3A_129 = arith.constant 0 : i32
    %dma_start3A_130 = tpu.memref_slice %arg5[%dma_start3A_129, %multiple_of3A_122] : memref<64x1000000xf32, #tpu.memory_space<hbm>> -> memref<64x128xf32, #tpu.memory_space<hbm>>
    tpu.enqueue_dma source(%dma_start3A_130 : memref<64x128xf32, #tpu.memory_space<hbm>>) target(%arg18 : memref<64x128xf32, #tpu.memory_space<vmem>>) target_semaphore(%arg35 : memref<!tpu.dma_semaphore, #tpu.memory_space<semaphore_mem>>)
    %dma_start3A_131 = arith.constant 0 : i32
    %dma_start3A_132 = tpu.memref_slice %arg6[%dma_start3A_131, %multiple_of3A_117] : memref<1x1000000xf32, #tpu.memory_space<hbm>> -> memref<1x128xf32, #tpu.memory_space<hbm>>
    %dma_start3A_133 = arith.constant 0 : i32
    %dma_start3A_134 = tpu.memref_slice %arg6[%dma_start3A_133, %multiple_of3A_117] : memref<1x1000000xf32, #tpu.memory_space<hbm>> -> memref<1x128xf32, #tpu.memory_space<hbm>>
    tpu.enqueue_dma source(%dma_start3A_134 : memref<1x128xf32, #tpu.memory_space<hbm>>) target(%arg22 : memref<1x128xf32, #tpu.memory_space<vmem>>) target_semaphore(%arg39 : memref<!tpu.dma_semaphore, #tpu.memory_space<semaphore_mem>>)
    %dma_start3A_135 = arith.constant 0 : i32
    %dma_start3A_136 = tpu.memref_slice %arg7[%dma_start3A_135, %multiple_of3A_122] : memref<1x1000000xf32, #tpu.memory_space<hbm>> -> memref<1x128xf32, #tpu.memory_space<hbm>>
    %dma_start3A_137 = arith.constant 0 : i32
    %dma_start3A_138 = tpu.memref_slice %arg7[%dma_start3A_137, %multiple_of3A_122] : memref<1x1000000xf32, #tpu.memory_space<hbm>> -> memref<1x128xf32, #tpu.memory_space<hbm>>
    tpu.enqueue_dma source(%dma_start3A_138 : memref<1x128xf32, #tpu.memory_space<hbm>>) target(%arg26 : memref<1x128xf32, #tpu.memory_space<vmem>>) target_semaphore(%arg39 : memref<!tpu.dma_semaphore, #tpu.memory_space<semaphore_mem>>)
    %scan3A_139 = arith.constant 0 : i32
    %scan3A_140 = arith.constant 0 : i32
    %scan3A_141 = arith.constant 128 : i32
    %scan3A_142 = arith.addi %scan3A_140, %scan3A_141 : i32
    %scan3A_143 = arith.constant 1 : i32
    scf.for %scan3A_145 = %scan3A_140 to %scan3A_142 step %scan3A_143  : i32 {
      %mul3A_146 = arith.constant 4 : i32
      %mul3A_147 = arith.muli %mul3A_146, %scan3A_145 : i32
      %add3A_148 = arith.constant 0 : i32
      %add3A_149 = arith.addi %mul3A_147, %add3A_148 : i32
      %dma_wait3A = arith.constant 0 : i32
      %dma_wait3A_150 = arith.constant 0 : i32
      %dma_wait3A_151 = tpu.memref_slice %arg4[%dma_wait3A, %dma_wait3A_150] : memref<64x1000000xf32, #tpu.memory_space<hbm>> -> memref<64x128xf32, #tpu.memory_space<hbm>>
      %dma_wait3A_152 = arith.constant 0 : i32
      %dma_wait3A_153 = arith.constant 0 : i32
      %dma_wait3A_154 = tpu.memref_slice %arg4[%dma_wait3A_152, %dma_wait3A_153] : memref<64x1000000xf32, #tpu.memory_space<hbm>> -> memref<64x128xf32, #tpu.memory_space<hbm>>
      tpu.wait_dma2 semaphore(%arg28 : memref<!tpu.dma_semaphore, #tpu.memory_space<semaphore_mem>>) src(%dma_wait3A_154 : memref<64x128xf32, #tpu.memory_space<hbm>>) dst(%arg11 : memref<64x128xf32, #tpu.memory_space<vmem>>)
      %dma_wait3A_155 = arith.constant 0 : i32
      %dma_wait3A_156 = arith.constant 0 : i32
      %dma_wait3A_157 = tpu.memref_slice %arg5[%dma_wait3A_155, %dma_wait3A_156] : memref<64x1000000xf32, #tpu.memory_space<hbm>> -> memref<64x128xf32, #tpu.memory_space<hbm>>
      %dma_wait3A_158 = arith.constant 0 : i32
      %dma_wait3A_159 = arith.constant 0 : i32
      %dma_wait3A_160 = tpu.memref_slice %arg5[%dma_wait3A_158, %dma_wait3A_159] : memref<64x1000000xf32, #tpu.memory_space<hbm>> -> memref<64x128xf32, #tpu.memory_space<hbm>>
      tpu.wait_dma2 semaphore(%arg32 : memref<!tpu.dma_semaphore, #tpu.memory_space<semaphore_mem>>) src(%dma_wait3A_160 : memref<64x128xf32, #tpu.memory_space<hbm>>) dst(%arg15 : memref<64x128xf32, #tpu.memory_space<vmem>>)
      %dma_wait3A_161 = arith.constant 0 : i32
      %dma_wait3A_162 = arith.constant 0 : i32
      %dma_wait3A_163 = tpu.memref_slice %arg6[%dma_wait3A_161, %dma_wait3A_162] : memref<1x1000000xf32, #tpu.memory_space<hbm>> -> memref<1x128xf32, #tpu.memory_space<hbm>>
      %dma_wait3A_164 = arith.constant 0 : i32
      %dma_wait3A_165 = arith.constant 0 : i32
      %dma_wait3A_166 = tpu.memref_slice %arg6[%dma_wait3A_164, %dma_wait3A_165] : memref<1x1000000xf32, #tpu.memory_space<hbm>> -> memref<1x128xf32, #tpu.memory_space<hbm>>
      tpu.wait_dma2 semaphore(%arg36 : memref<!tpu.dma_semaphore, #tpu.memory_space<semaphore_mem>>) src(%dma_wait3A_166 : memref<1x128xf32, #tpu.memory_space<hbm>>) dst(%arg19 : memref<1x128xf32, #tpu.memory_space<vmem>>)
      %dma_wait3A_167 = arith.constant 0 : i32
      %dma_wait3A_168 = arith.constant 0 : i32
      %dma_wait3A_169 = tpu.memref_slice %arg7[%dma_wait3A_167, %dma_wait3A_168] : memref<1x1000000xf32, #tpu.memory_space<hbm>> -> memref<1x128xf32, #tpu.memory_space<hbm>>
      %dma_wait3A_170 = arith.constant 0 : i32
      %dma_wait3A_171 = arith.constant 0 : i32
      %dma_wait3A_172 = tpu.memref_slice %arg7[%dma_wait3A_170, %dma_wait3A_171] : memref<1x1000000xf32, #tpu.memory_space<hbm>> -> memref<1x128xf32, #tpu.memory_space<hbm>>
      tpu.wait_dma2 semaphore(%arg36 : memref<!tpu.dma_semaphore, #tpu.memory_space<semaphore_mem>>) src(%dma_wait3A_172 : memref<1x128xf32, #tpu.memory_space<hbm>>) dst(%arg23 : memref<1x128xf32, #tpu.memory_space<vmem>>)
      %get3A_173 = arith.index_cast %add3A_149 : i32 to index
      %get3A_174 = tpu.vector_load %arg9[%get3A_173] {strides = array<i32>} : memref<528xi32, #tpu.memory_space<vmem>>, vector<16xi32>,
      %slice3A_175 = vector.extract_strided_slice %get3A_174 {offsets = [0], sizes = [1], strides = [1]} : vector<16xi32> to vector<1xi32>
      %squeeze3A_176 = vector.extract %slice3A_175[0] : i32 from vector<1xi32>
      %get3A_177 = arith.index_cast %add3A_149 : i32 to index
      %get3A_178 = tpu.vector_load %arg10[%get3A_177] {strides = array<i32>} : memref<528xi32, #tpu.memory_space<vmem>>, vector<16xi32>,
      %slice3A_179 = vector.extract_strided_slice %get3A_178 {offsets = [0], sizes = [1], strides = [1]} : vector<16xi32> to vector<1xi32>
      %squeeze3A_180 = vector.extract %slice3A_179[0] : i32 from vector<1xi32>
      %and3A = arith.constant 127 : i32
      %and3A_181 = arith.andi %squeeze3A_176, %and3A : i32
      %add3A_182 = vector.broadcast %and3A_181 : i32 to vector<16xi32>
      %add3A_183 = arith.addi %broadcast_in_dim3A_3, %add3A_182 : vector<16xi32>
      %and3A_184 = arith.constant 127 : i32
      %and3A_185 = arith.andi %squeeze3A_180, %and3A_184 : i32
      %add3A_186 = vector.broadcast %and3A_185 : i32 to vector<16xi32>
      %add3A_187 = arith.addi %broadcast_in_dim3A_3, %add3A_186 : vector<16xi32>
      %broadcast_in_dim3A_188 = arith.constant 0.000000e+00 : f32
      %broadcast_in_dim3A_189 = vector.broadcast %broadcast_in_dim3A_188 : f32 to vector<16xf32>
      %add3A_190 = arith.constant 0 : i32
      %add3A_191 = vector.broadcast %add3A_190 : i32 to vector<16xi32>
      %add3A_192 = arith.addi %add3A_191, %iota3A : vector<16xi32>
      %gather3A = tpu.vector_load_idx %arg11[%add3A_192, %add3A_183] : memref<64x128xf32, #tpu.memory_space<vmem>>[vector<16xi32>, vector<16xi32>], vector<16xf32>,
      %gather3A_193 = tpu.vector_load_idx %arg15[%add3A_192, %add3A_187] : memref<64x128xf32, #tpu.memory_space<vmem>>[vector<16xi32>, vector<16xi32>], vector<16xf32>,
      %mul3A_194 = arith.mulf %gather3A, %gather3A_193 : vector<16xf32>
      %add3A_195 = arith.addf %broadcast_in_dim3A_189, %mul3A_194 : vector<16xf32>
      %add3A_196 = arith.constant 16 : i32
      %add3A_197 = vector.broadcast %add3A_196 : i32 to vector<16xi32>
      %add3A_198 = arith.addi %add3A_197, %iota3A : vector<16xi32>
      %gather3A_199 = tpu.vector_load_idx %arg11[%add3A_198, %add3A_183] : memref<64x128xf32, #tpu.memory_space<vmem>>[vector<16xi32>, vector<16xi32>], vector<16xf32>,
      %gather3A_200 = tpu.vector_load_idx %arg15[%add3A_198, %add3A_187] : memref<64x128xf32, #tpu.memory_space<vmem>>[vector<16xi32>, vector<16xi32>], vector<16xf32>,
      %mul3A_201 = arith.mulf %gather3A_199, %gather3A_200 : vector<16xf32>
      %add3A_202 = arith.addf %add3A_195, %mul3A_201 : vector<16xf32>
      %add3A_203 = arith.constant 32 : i32
      %add3A_204 = vector.broadcast %add3A_203 : i32 to vector<16xi32>
      %add3A_205 = arith.addi %add3A_204, %iota3A : vector<16xi32>
      %gather3A_206 = tpu.vector_load_idx %arg11[%add3A_205, %add3A_183] : memref<64x128xf32, #tpu.memory_space<vmem>>[vector<16xi32>, vector<16xi32>], vector<16xf32>,
      %gather3A_207 = tpu.vector_load_idx %arg15[%add3A_205, %add3A_187] : memref<64x128xf32, #tpu.memory_space<vmem>>[vector<16xi32>, vector<16xi32>], vector<16xf32>,
      %mul3A_208 = arith.mulf %gather3A_206, %gather3A_207 : vector<16xf32>
      %add3A_209 = arith.addf %add3A_202, %mul3A_208 : vector<16xf32>
      %add3A_210 = arith.constant 48 : i32
      %add3A_211 = vector.broadcast %add3A_210 : i32 to vector<16xi32>
      %add3A_212 = arith.addi %add3A_211, %iota3A : vector<16xi32>
      %gather3A_213 = tpu.vector_load_idx %arg11[%add3A_212, %add3A_183] : memref<64x128xf32, #tpu.memory_space<vmem>>[vector<16xi32>, vector<16xi32>], vector<16xf32>,
      %gather3A_214 = tpu.vector_load_idx %arg15[%add3A_212, %add3A_187] : memref<64x128xf32, #tpu.memory_space<vmem>>[vector<16xi32>, vector<16xi32>], vector<16xf32>,
      %mul3A_215 = arith.mulf %gather3A_213, %gather3A_214 : vector<16xf32>
      %add3A_216 = arith.addf %add3A_209, %mul3A_215 : vector<16xf32>
      %xor3A = arith.constant 1 : i32
      %xor3A_217 = vector.broadcast %xor3A : i32 to vector<16xi32>
      %xor3A_218 = arith.xori %iota3A, %xor3A_217 : vector<16xi32>
      %broadcast_in_dim3A_219 = vector.shape_cast %xor3A_218 : vector<16xi32> to vector<16x1xi32>
      %gather3A_220 = vector.shape_cast %broadcast_in_dim3A_219 : vector<16x1xi32> to vector<16xi32>
      %gather3A_221 = tpu.dynamic_gather %add3A_216[%gather3A_220] in [0] : vector<16xf32>, vector<16xi32> -> vector<16xf32>
      %add3A_222 = arith.addf %add3A_216, %gather3A_221 : vector<16xf32>
      %xor3A_223 = arith.constant 2 : i32
      %xor3A_224 = vector.broadcast %xor3A_223 : i32 to vector<16xi32>
      %xor3A_225 = arith.xori %iota3A, %xor3A_224 : vector<16xi32>
      %broadcast_in_dim3A_226 = vector.shape_cast %xor3A_225 : vector<16xi32> to vector<16x1xi32>
      %gather3A_227 = vector.shape_cast %broadcast_in_dim3A_226 : vector<16x1xi32> to vector<16xi32>
      %gather3A_228 = tpu.dynamic_gather %add3A_222[%gather3A_227] in [0] : vector<16xf32>, vector<16xi32> -> vector<16xf32>
      %add3A_229 = arith.addf %add3A_222, %gather3A_228 : vector<16xf32>
      %xor3A_230 = arith.constant 4 : i32
      %xor3A_231 = vector.broadcast %xor3A_230 : i32 to vector<16xi32>
      %xor3A_232 = arith.xori %iota3A, %xor3A_231 : vector<16xi32>
      %broadcast_in_dim3A_233 = vector.shape_cast %xor3A_232 : vector<16xi32> to vector<16x1xi32>
      %gather3A_234 = vector.shape_cast %broadcast_in_dim3A_233 : vector<16x1xi32> to vector<16xi32>
      %gather3A_235 = tpu.dynamic_gather %add3A_229[%gather3A_234] in [0] : vector<16xf32>, vector<16xi32> -> vector<16xf32>
      %add3A_236 = arith.addf %add3A_229, %gather3A_235 : vector<16xf32>
      %xor3A_237 = arith.constant 8 : i32
      %xor3A_238 = vector.broadcast %xor3A_237 : i32 to vector<16xi32>
      %xor3A_239 = arith.xori %iota3A, %xor3A_238 : vector<16xi32>
      %broadcast_in_dim3A_240 = vector.shape_cast %xor3A_239 : vector<16xi32> to vector<16x1xi32>
      %gather3A_241 = vector.shape_cast %broadcast_in_dim3A_240 : vector<16x1xi32> to vector<16xi32>
      %gather3A_242 = tpu.dynamic_gather %add3A_236[%gather3A_241] in [0] : vector<16xf32>, vector<16xi32> -> vector<16xf32>
      %add3A_243 = arith.addf %add3A_236, %gather3A_242 : vector<16xf32>
      %gather3A_244 = tpu.vector_load_idx %arg19[%broadcast_in_dim3A_3, %add3A_183] : memref<1x128xf32, #tpu.memory_space<vmem>>[vector<16xi32>, vector<16xi32>], vector<16xf32>,
      %gather3A_245 = tpu.vector_load_idx %arg23[%broadcast_in_dim3A_3, %add3A_187] : memref<1x128xf32, #tpu.memory_space<vmem>>[vector<16xi32>, vector<16xi32>], vector<16xf32>,
      %add3A_246 = arith.addf %add3A_243, %gather3A_244 : vector<16xf32>
      %add3A_247 = arith.addf %add3A_246, %gather3A_245 : vector<16xf32>
      %add3A_248 = arith.constant 7.000000e+00 : f32
      %add3A_249 = vector.broadcast %add3A_248 : f32 to vector<16xf32>
      %add3A_250 = arith.addf %add3A_247, %add3A_249 : vector<16xf32>
      %shift_right_arithmetic3A_251 = arith.constant 4 : i32
      %shift_right_arithmetic3A_252 = arith.shrsi %add3A_149, %shift_right_arithmetic3A_251 : i32
      %shift_left3A = arith.constant 4 : i32
      %shift_left3A_253 = arith.shli %shift_right_arithmetic3A_252, %shift_left3A : i32
      %and3A_254 = arith.constant 15 : i32
      %and3A_255 = arith.andi %add3A_149, %and3A_254 : i32
      %eq3A = vector.broadcast %and3A_255 : i32 to vector<16xi32>
      %eq3A_256 = arith.cmpi eq, %iota3A, %eq3A : vector<16xi32>
      %get3A_257 = arith.index_cast %shift_left3A_253 : i32 to index
      %get3A_258 = tpu.vector_load %arg27[%get3A_257] {strides = array<i32>} : memref<512xf32, #tpu.memory_space<vmem>>, vector<16xf32>,
      %broadcast_in_dim3A_259 = arith.constant 0.000000e+00 : f32
      %broadcast_in_dim3A_260 = vector.broadcast %broadcast_in_dim3A_259 : f32 to vector<16xf32>
      %select_n3A = arith.select %eq3A_256, %add3A_250, %broadcast_in_dim3A_260 : vector<16xi1>, vector<16xf32>
      %add3A_261 = arith.addf %get3A_258, %select_n3A : vector<16xf32>
      %swap3A = arith.index_cast %shift_left3A_253 : i32 to index
      %swap3A_262 = tpu.vector_load %arg27[%swap3A] {strides = array<i32>} : memref<512xf32, #tpu.memory_space<vmem>>, vector<16xf32>,
      tpu.vector_store %arg27[%swap3A], %add3A_261 {strides = array<i32>} : memref<512xf32, #tpu.memory_space<vmem>>, vector<16xf32>,
      %add3A_263 = arith.constant 4 : i32
      %add3A_264 = arith.addi %add3A_149, %add3A_263 : i32
      %lt3A = arith.constant 512 : i32
      %lt3A_265 = arith.cmpi slt, %add3A_264, %lt3A : i32
      %convert_element_type3A = arith.extui %lt3A_265 : i1 to i32
      %cond3A = arith.constant 0 : i32
      %cond3A_266 = arith.cmpi ne, %convert_element_type3A, %cond3A : i32
      scf.if %cond3A_266 {
        %add3A_663 = arith.constant 4 : i32
        %add3A_664 = arith.addi %add3A_149, %add3A_663 : i32
        %get3A_665 = arith.index_cast %add3A_664 : i32 to index
        %get3A_666 = tpu.vector_load %arg9[%get3A_665] {strides = array<i32>} : memref<528xi32, #tpu.memory_space<vmem>>, vector<16xi32>,
        %slice3A_667 = vector.extract_strided_slice %get3A_666 {offsets = [0], sizes = [1], strides = [1]} : vector<16xi32> to vector<1xi32>
        %squeeze3A_668 = vector.extract %slice3A_667[0] : i32 from vector<1xi32>
        %get3A_669 = arith.index_cast %add3A_664 : i32 to index
        %get3A_670 = tpu.vector_load %arg10[%get3A_669] {strides = array<i32>} : memref<528xi32, #tpu.memory_space<vmem>>, vector<16xi32>,
        %slice3A_671 = vector.extract_strided_slice %get3A_670 {offsets = [0], sizes = [1], strides = [1]} : vector<16xi32> to vector<1xi32>
        %squeeze3A_672 = vector.extract %slice3A_671[0] : i32 from vector<1xi32>
        %shift_right_arithmetic3A_673 = arith.constant 7 : i32
        %shift_right_arithmetic3A_674 = arith.shrsi %squeeze3A_668, %shift_right_arithmetic3A_673 : i32
        %mul3A_675 = arith.constant 128 : i32
        %mul3A_676 = arith.muli %shift_right_arithmetic3A_674, %mul3A_675 : i32
        %multiple_of3A_677 = tpu.assume_multiple %mul3A_676, 128 : i32
        %shift_right_arithmetic3A_678 = arith.constant 7 : i32
        %shift_right_arithmetic3A_679 = arith.shrsi %squeeze3A_672, %shift_right_arithmetic3A_678 : i32
        %mul3A_680 = arith.constant 128 : i32
        %mul3A_681 = arith.muli %shift_right_arithmetic3A_679, %mul3A_680 : i32
        %multiple_of3A_682 = tpu.assume_multiple %mul3A_681, 128 : i32
        %dma_start3A_683 = arith.constant 0 : i32
        %dma_start3A_684 = tpu.memref_slice %arg4[%dma_start3A_683, %multiple_of3A_677] : memref<64x1000000xf32, #tpu.memory_space<hbm>> -> memref<64x128xf32, #tpu.memory_space<hbm>>
        %dma_start3A_685 = arith.constant 0 : i32
        %dma_start3A_686 = tpu.memref_slice %arg4[%dma_start3A_685, %multiple_of3A_677] : memref<64x1000000xf32, #tpu.memory_space<hbm>> -> memref<64x128xf32, #tpu.memory_space<hbm>>
        tpu.enqueue_dma source(%dma_start3A_686 : memref<64x128xf32, #tpu.memory_space<hbm>>) target(%arg11 : memref<64x128xf32, #tpu.memory_space<vmem>>) target_semaphore(%arg28 : memref<!tpu.dma_semaphore, #tpu.memory_space<semaphore_mem>>)
        %dma_start3A_687 = arith.constant 0 : i32
        %dma_start3A_688 = tpu.memref_slice %arg5[%dma_start3A_687, %multiple_of3A_682] : memref<64x1000000xf32, #tpu.memory_space<hbm>> -> memref<64x128xf32, #tpu.memory_space<hbm>>
        %dma_start3A_689 = arith.constant 0 : i32
        %dma_start3A_690 = tpu.memref_slice %arg5[%dma_start3A_689, %multiple_of3A_682] : memref<64x1000000xf32, #tpu.memory_space<hbm>> -> memref<64x128xf32, #tpu.memory_space<hbm>>
        tpu.enqueue_dma source(%dma_start3A_690 : memref<64x128xf32, #tpu.memory_space<hbm>>) target(%arg15 : memref<64x128xf32, #tpu.memory_space<vmem>>) target_semaphore(%arg32 : memref<!tpu.dma_semaphore, #tpu.memory_space<semaphore_mem>>)
        %dma_start3A_691 = arith.constant 0 : i32
        %dma_start3A_692 = tpu.memref_slice %arg6[%dma_start3A_691, %multiple_of3A_677] : memref<1x1000000xf32, #tpu.memory_space<hbm>> -> memref<1x128xf32, #tpu.memory_space<hbm>>
        %dma_start3A_693 = arith.constant 0 : i32
        %dma_start3A_694 = tpu.memref_slice %arg6[%dma_start3A_693, %multiple_of3A_677] : memref<1x1000000xf32, #tpu.memory_space<hbm>> -> memref<1x128xf32, #tpu.memory_space<hbm>>
        tpu.enqueue_dma source(%dma_start3A_694 : memref<1x128xf32, #tpu.memory_space<hbm>>) target(%arg19 : memref<1x128xf32, #tpu.memory_space<vmem>>) target_semaphore(%arg36 : memref<!tpu.dma_semaphore, #tpu.memory_space<semaphore_mem>>)
        %dma_start3A_695 = arith.constant 0 : i32
        %dma_start3A_696 = tpu.memref_slice %arg7[%dma_start3A_695, %multiple_of3A_682] : memref<1x1000000xf32, #tpu.memory_space<hbm>> -> memref<1x128xf32, #tpu.memory_space<hbm>>
        %dma_start3A_697 = arith.constant 0 : i32
        %dma_start3A_698 = tpu.memref_slice %arg7[%dma_start3A_697, %multiple_of3A_682] : memref<1x1000000xf32, #tpu.memory_space<hbm>> -> memref<1x128xf32, #tpu.memory_space<hbm>>
        tpu.enqueue_dma source(%dma_start3A_698 : memref<1x128xf32, #tpu.memory_space<hbm>>) target(%arg23 : memref<1x128xf32, #tpu.memory_space<vmem>>) target_semaphore(%arg36 : memref<!tpu.dma_semaphore, #tpu.memory_space<semaphore_mem>>)
      } else {
      }
      %mul3A_267 = arith.constant 4 : i32
      %mul3A_268 = arith.muli %mul3A_267, %scan3A_145 : i32
      %add3A_269 = arith.constant 1 : i32
      %add3A_270 = arith.addi %mul3A_268, %add3A_269 : i32
      %dma_wait3A_271 = arith.constant 0 : i32
      %dma_wait3A_272 = arith.constant 0 : i32
      %dma_wait3A_273 = tpu.memref_slice %arg4[%dma_wait3A_271, %dma_wait3A_272] : memref<64x1000000xf32, #tpu.memory_space<hbm>> -> memref<64x128xf32, #tpu.memory_space<hbm>>
      %dma_wait3A_274 = arith.constant 0 : i32
      %dma_wait3A_275 = arith.constant 0 : i32
      %dma_wait3A_276 = tpu.memref_slice %arg4[%dma_wait3A_274, %dma_wait3A_275] : memref<64x1000000xf32, #tpu.memory_space<hbm>> -> memref<64x128xf32, #tpu.memory_space<hbm>>
      tpu.wait_dma2 semaphore(%arg29 : memref<!tpu.dma_semaphore, #tpu.memory_space<semaphore_mem>>) src(%dma_wait3A_276 : memref<64x128xf32, #tpu.memory_space<hbm>>) dst(%arg12 : memref<64x128xf32, #tpu.memory_space<vmem>>)
      %dma_wait3A_277 = arith.constant 0 : i32
      %dma_wait3A_278 = arith.constant 0 : i32
      %dma_wait3A_279 = tpu.memref_slice %arg5[%dma_wait3A_277, %dma_wait3A_278] : memref<64x1000000xf32, #tpu.memory_space<hbm>> -> memref<64x128xf32, #tpu.memory_space<hbm>>
      %dma_wait3A_280 = arith.constant 0 : i32
      %dma_wait3A_281 = arith.constant 0 : i32
      %dma_wait3A_282 = tpu.memref_slice %arg5[%dma_wait3A_280, %dma_wait3A_281] : memref<64x1000000xf32, #tpu.memory_space<hbm>> -> memref<64x128xf32, #tpu.memory_space<hbm>>
      tpu.wait_dma2 semaphore(%arg33 : memref<!tpu.dma_semaphore, #tpu.memory_space<semaphore_mem>>) src(%dma_wait3A_282 : memref<64x128xf32, #tpu.memory_space<hbm>>) dst(%arg16 : memref<64x128xf32, #tpu.memory_space<vmem>>)
      %dma_wait3A_283 = arith.constant 0 : i32
      %dma_wait3A_284 = arith.constant 0 : i32
      %dma_wait3A_285 = tpu.memref_slice %arg6[%dma_wait3A_283, %dma_wait3A_284] : memref<1x1000000xf32, #tpu.memory_space<hbm>> -> memref<1x128xf32, #tpu.memory_space<hbm>>
      %dma_wait3A_286 = arith.constant 0 : i32
      %dma_wait3A_287 = arith.constant 0 : i32
      %dma_wait3A_288 = tpu.memref_slice %arg6[%dma_wait3A_286, %dma_wait3A_287] : memref<1x1000000xf32, #tpu.memory_space<hbm>> -> memref<1x128xf32, #tpu.memory_space<hbm>>
      tpu.wait_dma2 semaphore(%arg37 : memref<!tpu.dma_semaphore, #tpu.memory_space<semaphore_mem>>) src(%dma_wait3A_288 : memref<1x128xf32, #tpu.memory_space<hbm>>) dst(%arg20 : memref<1x128xf32, #tpu.memory_space<vmem>>)
      %dma_wait3A_289 = arith.constant 0 : i32
      %dma_wait3A_290 = arith.constant 0 : i32
      %dma_wait3A_291 = tpu.memref_slice %arg7[%dma_wait3A_289, %dma_wait3A_290] : memref<1x1000000xf32, #tpu.memory_space<hbm>> -> memref<1x128xf32, #tpu.memory_space<hbm>>
      %dma_wait3A_292 = arith.constant 0 : i32
      %dma_wait3A_293 = arith.constant 0 : i32
      %dma_wait3A_294 = tpu.memref_slice %arg7[%dma_wait3A_292, %dma_wait3A_293] : memref<1x1000000xf32, #tpu.memory_space<hbm>> -> memref<1x128xf32, #tpu.memory_space<hbm>>
      tpu.wait_dma2 semaphore(%arg37 : memref<!tpu.dma_semaphore, #tpu.memory_space<semaphore_mem>>) src(%dma_wait3A_294 : memref<1x128xf32, #tpu.memory_space<hbm>>) dst(%arg24 : memref<1x128xf32, #tpu.memory_space<vmem>>)
      %get3A_295 = arith.index_cast %add3A_270 : i32 to index
      %get3A_296 = tpu.vector_load %arg9[%get3A_295] {strides = array<i32>} : memref<528xi32, #tpu.memory_space<vmem>>, vector<16xi32>,
      %slice3A_297 = vector.extract_strided_slice %get3A_296 {offsets = [0], sizes = [1], strides = [1]} : vector<16xi32> to vector<1xi32>
      %squeeze3A_298 = vector.extract %slice3A_297[0] : i32 from vector<1xi32>
      %get3A_299 = arith.index_cast %add3A_270 : i32 to index
      %get3A_300 = tpu.vector_load %arg10[%get3A_299] {strides = array<i32>} : memref<528xi32, #tpu.memory_space<vmem>>, vector<16xi32>,
      %slice3A_301 = vector.extract_strided_slice %get3A_300 {offsets = [0], sizes = [1], strides = [1]} : vector<16xi32> to vector<1xi32>
      %squeeze3A_302 = vector.extract %slice3A_301[0] : i32 from vector<1xi32>
      %and3A_303 = arith.constant 127 : i32
      %and3A_304 = arith.andi %squeeze3A_298, %and3A_303 : i32
      %add3A_305 = vector.broadcast %and3A_304 : i32 to vector<16xi32>
      %add3A_306 = arith.addi %broadcast_in_dim3A_3, %add3A_305 : vector<16xi32>
      %and3A_307 = arith.constant 127 : i32
      %and3A_308 = arith.andi %squeeze3A_302, %and3A_307 : i32
      %add3A_309 = vector.broadcast %and3A_308 : i32 to vector<16xi32>
      %add3A_310 = arith.addi %broadcast_in_dim3A_3, %add3A_309 : vector<16xi32>
      %broadcast_in_dim3A_311 = arith.constant 0.000000e+00 : f32
      %broadcast_in_dim3A_312 = vector.broadcast %broadcast_in_dim3A_311 : f32 to vector<16xf32>
      %add3A_313 = arith.constant 0 : i32
      %add3A_314 = vector.broadcast %add3A_313 : i32 to vector<16xi32>
      %add3A_315 = arith.addi %add3A_314, %iota3A : vector<16xi32>
      %gather3A_316 = tpu.vector_load_idx %arg12[%add3A_315, %add3A_306] : memref<64x128xf32, #tpu.memory_space<vmem>>[vector<16xi32>, vector<16xi32>], vector<16xf32>,
      %gather3A_317 = tpu.vector_load_idx %arg16[%add3A_315, %add3A_310] : memref<64x128xf32, #tpu.memory_space<vmem>>[vector<16xi32>, vector<16xi32>], vector<16xf32>,
      %mul3A_318 = arith.mulf %gather3A_316, %gather3A_317 : vector<16xf32>
      %add3A_319 = arith.addf %broadcast_in_dim3A_312, %mul3A_318 : vector<16xf32>
      %add3A_320 = arith.constant 16 : i32
      %add3A_321 = vector.broadcast %add3A_320 : i32 to vector<16xi32>
      %add3A_322 = arith.addi %add3A_321, %iota3A : vector<16xi32>
      %gather3A_323 = tpu.vector_load_idx %arg12[%add3A_322, %add3A_306] : memref<64x128xf32, #tpu.memory_space<vmem>>[vector<16xi32>, vector<16xi32>], vector<16xf32>,
      %gather3A_324 = tpu.vector_load_idx %arg16[%add3A_322, %add3A_310] : memref<64x128xf32, #tpu.memory_space<vmem>>[vector<16xi32>, vector<16xi32>], vector<16xf32>,
      %mul3A_325 = arith.mulf %gather3A_323, %gather3A_324 : vector<16xf32>
      %add3A_326 = arith.addf %add3A_319, %mul3A_325 : vector<16xf32>
      %add3A_327 = arith.constant 32 : i32
      %add3A_328 = vector.broadcast %add3A_327 : i32 to vector<16xi32>
      %add3A_329 = arith.addi %add3A_328, %iota3A : vector<16xi32>
      %gather3A_330 = tpu.vector_load_idx %arg12[%add3A_329, %add3A_306] : memref<64x128xf32, #tpu.memory_space<vmem>>[vector<16xi32>, vector<16xi32>], vector<16xf32>,
      %gather3A_331 = tpu.vector_load_idx %arg16[%add3A_329, %add3A_310] : memref<64x128xf32, #tpu.memory_space<vmem>>[vector<16xi32>, vector<16xi32>], vector<16xf32>,
      %mul3A_332 = arith.mulf %gather3A_330, %gather3A_331 : vector<16xf32>
      %add3A_333 = arith.addf %add3A_326, %mul3A_332 : vector<16xf32>
      %add3A_334 = arith.constant 48 : i32
      %add3A_335 = vector.broadcast %add3A_334 : i32 to vector<16xi32>
      %add3A_336 = arith.addi %add3A_335, %iota3A : vector<16xi32>
      %gather3A_337 = tpu.vector_load_idx %arg12[%add3A_336, %add3A_306] : memref<64x128xf32, #tpu.memory_space<vmem>>[vector<16xi32>, vector<16xi32>], vector<16xf32>,
      %gather3A_338 = tpu.vector_load_idx %arg16[%add3A_336, %add3A_310] : memref<64x128xf32, #tpu.memory_space<vmem>>[vector<16xi32>, vector<16xi32>], vector<16xf32>,
      %mul3A_339 = arith.mulf %gather3A_337, %gather3A_338 : vector<16xf32>
      %add3A_340 = arith.addf %add3A_333, %mul3A_339 : vector<16xf32>
      %xor3A_341 = arith.constant 1 : i32
      %xor3A_342 = vector.broadcast %xor3A_341 : i32 to vector<16xi32>
      %xor3A_343 = arith.xori %iota3A, %xor3A_342 : vector<16xi32>
      %broadcast_in_dim3A_344 = vector.shape_cast %xor3A_343 : vector<16xi32> to vector<16x1xi32>
      %gather3A_345 = vector.shape_cast %broadcast_in_dim3A_344 : vector<16x1xi32> to vector<16xi32>
      %gather3A_346 = tpu.dynamic_gather %add3A_340[%gather3A_345] in [0] : vector<16xf32>, vector<16xi32> -> vector<16xf32>
      %add3A_347 = arith.addf %add3A_340, %gather3A_346 : vector<16xf32>
      %xor3A_348 = arith.constant 2 : i32
      %xor3A_349 = vector.broadcast %xor3A_348 : i32 to vector<16xi32>
      %xor3A_350 = arith.xori %iota3A, %xor3A_349 : vector<16xi32>
      %broadcast_in_dim3A_351 = vector.shape_cast %xor3A_350 : vector<16xi32> to vector<16x1xi32>
      %gather3A_352 = vector.shape_cast %broadcast_in_dim3A_351 : vector<16x1xi32> to vector<16xi32>
      %gather3A_353 = tpu.dynamic_gather %add3A_347[%gather3A_352] in [0] : vector<16xf32>, vector<16xi32> -> vector<16xf32>
      %add3A_354 = arith.addf %add3A_347, %gather3A_353 : vector<16xf32>
      %xor3A_355 = arith.constant 4 : i32
      %xor3A_356 = vector.broadcast %xor3A_355 : i32 to vector<16xi32>
      %xor3A_357 = arith.xori %iota3A, %xor3A_356 : vector<16xi32>
      %broadcast_in_dim3A_358 = vector.shape_cast %xor3A_357 : vector<16xi32> to vector<16x1xi32>
      %gather3A_359 = vector.shape_cast %broadcast_in_dim3A_358 : vector<16x1xi32> to vector<16xi32>
      %gather3A_360 = tpu.dynamic_gather %add3A_354[%gather3A_359] in [0] : vector<16xf32>, vector<16xi32> -> vector<16xf32>
      %add3A_361 = arith.addf %add3A_354, %gather3A_360 : vector<16xf32>
      %xor3A_362 = arith.constant 8 : i32
      %xor3A_363 = vector.broadcast %xor3A_362 : i32 to vector<16xi32>
      %xor3A_364 = arith.xori %iota3A, %xor3A_363 : vector<16xi32>
      %broadcast_in_dim3A_365 = vector.shape_cast %xor3A_364 : vector<16xi32> to vector<16x1xi32>
      %gather3A_366 = vector.shape_cast %broadcast_in_dim3A_365 : vector<16x1xi32> to vector<16xi32>
      %gather3A_367 = tpu.dynamic_gather %add3A_361[%gather3A_366] in [0] : vector<16xf32>, vector<16xi32> -> vector<16xf32>
      %add3A_368 = arith.addf %add3A_361, %gather3A_367 : vector<16xf32>
      %gather3A_369 = tpu.vector_load_idx %arg20[%broadcast_in_dim3A_3, %add3A_306] : memref<1x128xf32, #tpu.memory_space<vmem>>[vector<16xi32>, vector<16xi32>], vector<16xf32>,
      %gather3A_370 = tpu.vector_load_idx %arg24[%broadcast_in_dim3A_3, %add3A_310] : memref<1x128xf32, #tpu.memory_space<vmem>>[vector<16xi32>, vector<16xi32>], vector<16xf32>,
      %add3A_371 = arith.addf %add3A_368, %gather3A_369 : vector<16xf32>
      %add3A_372 = arith.addf %add3A_371, %gather3A_370 : vector<16xf32>
      %add3A_373 = arith.constant 7.000000e+00 : f32
      %add3A_374 = vector.broadcast %add3A_373 : f32 to vector<16xf32>
      %add3A_375 = arith.addf %add3A_372, %add3A_374 : vector<16xf32>
      %shift_right_arithmetic3A_376 = arith.constant 4 : i32
      %shift_right_arithmetic3A_377 = arith.shrsi %add3A_270, %shift_right_arithmetic3A_376 : i32
      %shift_left3A_378 = arith.constant 4 : i32
      %shift_left3A_379 = arith.shli %shift_right_arithmetic3A_377, %shift_left3A_378 : i32
      %and3A_380 = arith.constant 15 : i32
      %and3A_381 = arith.andi %add3A_270, %and3A_380 : i32
      %eq3A_382 = vector.broadcast %and3A_381 : i32 to vector<16xi32>
      %eq3A_383 = arith.cmpi eq, %iota3A, %eq3A_382 : vector<16xi32>
      %get3A_384 = arith.index_cast %shift_left3A_379 : i32 to index
      %get3A_385 = tpu.vector_load %arg27[%get3A_384] {strides = array<i32>} : memref<512xf32, #tpu.memory_space<vmem>>, vector<16xf32>,
      %broadcast_in_dim3A_386 = arith.constant 0.000000e+00 : f32
      %broadcast_in_dim3A_387 = vector.broadcast %broadcast_in_dim3A_386 : f32 to vector<16xf32>
      %select_n3A_388 = arith.select %eq3A_383, %add3A_375, %broadcast_in_dim3A_387 : vector<16xi1>, vector<16xf32>
      %add3A_389 = arith.addf %get3A_385, %select_n3A_388 : vector<16xf32>
      %swap3A_390 = arith.index_cast %shift_left3A_379 : i32 to index
      %swap3A_391 = tpu.vector_load %arg27[%swap3A_390] {strides = array<i32>} : memref<512xf32, #tpu.memory_space<vmem>>, vector<16xf32>,
      tpu.vector_store %arg27[%swap3A_390], %add3A_389 {strides = array<i32>} : memref<512xf32, #tpu.memory_space<vmem>>, vector<16xf32>,
      %add3A_392 = arith.constant 4 : i32
      %add3A_393 = arith.addi %add3A_270, %add3A_392 : i32
      %lt3A_394 = arith.constant 512 : i32
      %lt3A_395 = arith.cmpi slt, %add3A_393, %lt3A_394 : i32
      %convert_element_type3A_396 = arith.extui %lt3A_395 : i1 to i32
      %cond3A_397 = arith.constant 0 : i32
      %cond3A_398 = arith.cmpi ne, %convert_element_type3A_396, %cond3A_397 : i32
      scf.if %cond3A_398 {
        %add3A_663 = arith.constant 4 : i32
        %add3A_664 = arith.addi %add3A_270, %add3A_663 : i32
        %get3A_665 = arith.index_cast %add3A_664 : i32 to index
        %get3A_666 = tpu.vector_load %arg9[%get3A_665] {strides = array<i32>} : memref<528xi32, #tpu.memory_space<vmem>>, vector<16xi32>,
        %slice3A_667 = vector.extract_strided_slice %get3A_666 {offsets = [0], sizes = [1], strides = [1]} : vector<16xi32> to vector<1xi32>
        %squeeze3A_668 = vector.extract %slice3A_667[0] : i32 from vector<1xi32>
        %get3A_669 = arith.index_cast %add3A_664 : i32 to index
        %get3A_670 = tpu.vector_load %arg10[%get3A_669] {strides = array<i32>} : memref<528xi32, #tpu.memory_space<vmem>>, vector<16xi32>,
        %slice3A_671 = vector.extract_strided_slice %get3A_670 {offsets = [0], sizes = [1], strides = [1]} : vector<16xi32> to vector<1xi32>
        %squeeze3A_672 = vector.extract %slice3A_671[0] : i32 from vector<1xi32>
        %shift_right_arithmetic3A_673 = arith.constant 7 : i32
        %shift_right_arithmetic3A_674 = arith.shrsi %squeeze3A_668, %shift_right_arithmetic3A_673 : i32
        %mul3A_675 = arith.constant 128 : i32
        %mul3A_676 = arith.muli %shift_right_arithmetic3A_674, %mul3A_675 : i32
        %multiple_of3A_677 = tpu.assume_multiple %mul3A_676, 128 : i32
        %shift_right_arithmetic3A_678 = arith.constant 7 : i32
        %shift_right_arithmetic3A_679 = arith.shrsi %squeeze3A_672, %shift_right_arithmetic3A_678 : i32
        %mul3A_680 = arith.constant 128 : i32
        %mul3A_681 = arith.muli %shift_right_arithmetic3A_679, %mul3A_680 : i32
        %multiple_of3A_682 = tpu.assume_multiple %mul3A_681, 128 : i32
        %dma_start3A_683 = arith.constant 0 : i32
        %dma_start3A_684 = tpu.memref_slice %arg4[%dma_start3A_683, %multiple_of3A_677] : memref<64x1000000xf32, #tpu.memory_space<hbm>> -> memref<64x128xf32, #tpu.memory_space<hbm>>
        %dma_start3A_685 = arith.constant 0 : i32
        %dma_start3A_686 = tpu.memref_slice %arg4[%dma_start3A_685, %multiple_of3A_677] : memref<64x1000000xf32, #tpu.memory_space<hbm>> -> memref<64x128xf32, #tpu.memory_space<hbm>>
        tpu.enqueue_dma source(%dma_start3A_686 : memref<64x128xf32, #tpu.memory_space<hbm>>) target(%arg12 : memref<64x128xf32, #tpu.memory_space<vmem>>) target_semaphore(%arg29 : memref<!tpu.dma_semaphore, #tpu.memory_space<semaphore_mem>>)
        %dma_start3A_687 = arith.constant 0 : i32
        %dma_start3A_688 = tpu.memref_slice %arg5[%dma_start3A_687, %multiple_of3A_682] : memref<64x1000000xf32, #tpu.memory_space<hbm>> -> memref<64x128xf32, #tpu.memory_space<hbm>>
        %dma_start3A_689 = arith.constant 0 : i32
        %dma_start3A_690 = tpu.memref_slice %arg5[%dma_start3A_689, %multiple_of3A_682] : memref<64x1000000xf32, #tpu.memory_space<hbm>> -> memref<64x128xf32, #tpu.memory_space<hbm>>
        tpu.enqueue_dma source(%dma_start3A_690 : memref<64x128xf32, #tpu.memory_space<hbm>>) target(%arg16 : memref<64x128xf32, #tpu.memory_space<vmem>>) target_semaphore(%arg33 : memref<!tpu.dma_semaphore, #tpu.memory_space<semaphore_mem>>)
        %dma_start3A_691 = arith.constant 0 : i32
        %dma_start3A_692 = tpu.memref_slice %arg6[%dma_start3A_691, %multiple_of3A_677] : memref<1x1000000xf32, #tpu.memory_space<hbm>> -> memref<1x128xf32, #tpu.memory_space<hbm>>
        %dma_start3A_693 = arith.constant 0 : i32
        %dma_start3A_694 = tpu.memref_slice %arg6[%dma_start3A_693, %multiple_of3A_677] : memref<1x1000000xf32, #tpu.memory_space<hbm>> -> memref<1x128xf32, #tpu.memory_space<hbm>>
        tpu.enqueue_dma source(%dma_start3A_694 : memref<1x128xf32, #tpu.memory_space<hbm>>) target(%arg20 : memref<1x128xf32, #tpu.memory_space<vmem>>) target_semaphore(%arg37 : memref<!tpu.dma_semaphore, #tpu.memory_space<semaphore_mem>>)
        %dma_start3A_695 = arith.constant 0 : i32
        %dma_start3A_696 = tpu.memref_slice %arg7[%dma_start3A_695, %multiple_of3A_682] : memref<1x1000000xf32, #tpu.memory_space<hbm>> -> memref<1x128xf32, #tpu.memory_space<hbm>>
        %dma_start3A_697 = arith.constant 0 : i32
        %dma_start3A_698 = tpu.memref_slice %arg7[%dma_start3A_697, %multiple_of3A_682] : memref<1x1000000xf32, #tpu.memory_space<hbm>> -> memref<1x128xf32, #tpu.memory_space<hbm>>
        tpu.enqueue_dma source(%dma_start3A_698 : memref<1x128xf32, #tpu.memory_space<hbm>>) target(%arg24 : memref<1x128xf32, #tpu.memory_space<vmem>>) target_semaphore(%arg37 : memref<!tpu.dma_semaphore, #tpu.memory_space<semaphore_mem>>)
      } else {
      }
      %mul3A_399 = arith.constant 4 : i32
      %mul3A_400 = arith.muli %mul3A_399, %scan3A_145 : i32
      %add3A_401 = arith.constant 2 : i32
      %add3A_402 = arith.addi %mul3A_400, %add3A_401 : i32
      %dma_wait3A_403 = arith.constant 0 : i32
      %dma_wait3A_404 = arith.constant 0 : i32
      %dma_wait3A_405 = tpu.memref_slice %arg4[%dma_wait3A_403, %dma_wait3A_404] : memref<64x1000000xf32, #tpu.memory_space<hbm>> -> memref<64x128xf32, #tpu.memory_space<hbm>>
      %dma_wait3A_406 = arith.constant 0 : i32
      %dma_wait3A_407 = arith.constant 0 : i32
      %dma_wait3A_408 = tpu.memref_slice %arg4[%dma_wait3A_406, %dma_wait3A_407] : memref<64x1000000xf32, #tpu.memory_space<hbm>> -> memref<64x128xf32, #tpu.memory_space<hbm>>
      tpu.wait_dma2 semaphore(%arg30 : memref<!tpu.dma_semaphore, #tpu.memory_space<semaphore_mem>>) src(%dma_wait3A_408 : memref<64x128xf32, #tpu.memory_space<hbm>>) dst(%arg13 : memref<64x128xf32, #tpu.memory_space<vmem>>)
      %dma_wait3A_409 = arith.constant 0 : i32
      %dma_wait3A_410 = arith.constant 0 : i32
      %dma_wait3A_411 = tpu.memref_slice %arg5[%dma_wait3A_409, %dma_wait3A_410] : memref<64x1000000xf32, #tpu.memory_space<hbm>> -> memref<64x128xf32, #tpu.memory_space<hbm>>
      %dma_wait3A_412 = arith.constant 0 : i32
      %dma_wait3A_413 = arith.constant 0 : i32
      %dma_wait3A_414 = tpu.memref_slice %arg5[%dma_wait3A_412, %dma_wait3A_413] : memref<64x1000000xf32, #tpu.memory_space<hbm>> -> memref<64x128xf32, #tpu.memory_space<hbm>>
      tpu.wait_dma2 semaphore(%arg34 : memref<!tpu.dma_semaphore, #tpu.memory_space<semaphore_mem>>) src(%dma_wait3A_414 : memref<64x128xf32, #tpu.memory_space<hbm>>) dst(%arg17 : memref<64x128xf32, #tpu.memory_space<vmem>>)
      %dma_wait3A_415 = arith.constant 0 : i32
      %dma_wait3A_416 = arith.constant 0 : i32
      %dma_wait3A_417 = tpu.memref_slice %arg6[%dma_wait3A_415, %dma_wait3A_416] : memref<1x1000000xf32, #tpu.memory_space<hbm>> -> memref<1x128xf32, #tpu.memory_space<hbm>>
      %dma_wait3A_418 = arith.constant 0 : i32
      %dma_wait3A_419 = arith.constant 0 : i32
      %dma_wait3A_420 = tpu.memref_slice %arg6[%dma_wait3A_418, %dma_wait3A_419] : memref<1x1000000xf32, #tpu.memory_space<hbm>> -> memref<1x128xf32, #tpu.memory_space<hbm>>
      tpu.wait_dma2 semaphore(%arg38 : memref<!tpu.dma_semaphore, #tpu.memory_space<semaphore_mem>>) src(%dma_wait3A_420 : memref<1x128xf32, #tpu.memory_space<hbm>>) dst(%arg21 : memref<1x128xf32, #tpu.memory_space<vmem>>)
      %dma_wait3A_421 = arith.constant 0 : i32
      %dma_wait3A_422 = arith.constant 0 : i32
      %dma_wait3A_423 = tpu.memref_slice %arg7[%dma_wait3A_421, %dma_wait3A_422] : memref<1x1000000xf32, #tpu.memory_space<hbm>> -> memref<1x128xf32, #tpu.memory_space<hbm>>
      %dma_wait3A_424 = arith.constant 0 : i32
      %dma_wait3A_425 = arith.constant 0 : i32
      %dma_wait3A_426 = tpu.memref_slice %arg7[%dma_wait3A_424, %dma_wait3A_425] : memref<1x1000000xf32, #tpu.memory_space<hbm>> -> memref<1x128xf32, #tpu.memory_space<hbm>>
      tpu.wait_dma2 semaphore(%arg38 : memref<!tpu.dma_semaphore, #tpu.memory_space<semaphore_mem>>) src(%dma_wait3A_426 : memref<1x128xf32, #tpu.memory_space<hbm>>) dst(%arg25 : memref<1x128xf32, #tpu.memory_space<vmem>>)
      %get3A_427 = arith.index_cast %add3A_402 : i32 to index
      %get3A_428 = tpu.vector_load %arg9[%get3A_427] {strides = array<i32>} : memref<528xi32, #tpu.memory_space<vmem>>, vector<16xi32>,
      %slice3A_429 = vector.extract_strided_slice %get3A_428 {offsets = [0], sizes = [1], strides = [1]} : vector<16xi32> to vector<1xi32>
      %squeeze3A_430 = vector.extract %slice3A_429[0] : i32 from vector<1xi32>
      %get3A_431 = arith.index_cast %add3A_402 : i32 to index
      %get3A_432 = tpu.vector_load %arg10[%get3A_431] {strides = array<i32>} : memref<528xi32, #tpu.memory_space<vmem>>, vector<16xi32>,
      %slice3A_433 = vector.extract_strided_slice %get3A_432 {offsets = [0], sizes = [1], strides = [1]} : vector<16xi32> to vector<1xi32>
      %squeeze3A_434 = vector.extract %slice3A_433[0] : i32 from vector<1xi32>
      %and3A_435 = arith.constant 127 : i32
      %and3A_436 = arith.andi %squeeze3A_430, %and3A_435 : i32
      %add3A_437 = vector.broadcast %and3A_436 : i32 to vector<16xi32>
      %add3A_438 = arith.addi %broadcast_in_dim3A_3, %add3A_437 : vector<16xi32>
      %and3A_439 = arith.constant 127 : i32
      %and3A_440 = arith.andi %squeeze3A_434, %and3A_439 : i32
      %add3A_441 = vector.broadcast %and3A_440 : i32 to vector<16xi32>
      %add3A_442 = arith.addi %broadcast_in_dim3A_3, %add3A_441 : vector<16xi32>
      %broadcast_in_dim3A_443 = arith.constant 0.000000e+00 : f32
      %broadcast_in_dim3A_444 = vector.broadcast %broadcast_in_dim3A_443 : f32 to vector<16xf32>
      %add3A_445 = arith.constant 0 : i32
      %add3A_446 = vector.broadcast %add3A_445 : i32 to vector<16xi32>
      %add3A_447 = arith.addi %add3A_446, %iota3A : vector<16xi32>
      %gather3A_448 = tpu.vector_load_idx %arg13[%add3A_447, %add3A_438] : memref<64x128xf32, #tpu.memory_space<vmem>>[vector<16xi32>, vector<16xi32>], vector<16xf32>,
      %gather3A_449 = tpu.vector_load_idx %arg17[%add3A_447, %add3A_442] : memref<64x128xf32, #tpu.memory_space<vmem>>[vector<16xi32>, vector<16xi32>], vector<16xf32>,
      %mul3A_450 = arith.mulf %gather3A_448, %gather3A_449 : vector<16xf32>
      %add3A_451 = arith.addf %broadcast_in_dim3A_444, %mul3A_450 : vector<16xf32>
      %add3A_452 = arith.constant 16 : i32
      %add3A_453 = vector.broadcast %add3A_452 : i32 to vector<16xi32>
      %add3A_454 = arith.addi %add3A_453, %iota3A : vector<16xi32>
      %gather3A_455 = tpu.vector_load_idx %arg13[%add3A_454, %add3A_438] : memref<64x128xf32, #tpu.memory_space<vmem>>[vector<16xi32>, vector<16xi32>], vector<16xf32>,
      %gather3A_456 = tpu.vector_load_idx %arg17[%add3A_454, %add3A_442] : memref<64x128xf32, #tpu.memory_space<vmem>>[vector<16xi32>, vector<16xi32>], vector<16xf32>,
      %mul3A_457 = arith.mulf %gather3A_455, %gather3A_456 : vector<16xf32>
      %add3A_458 = arith.addf %add3A_451, %mul3A_457 : vector<16xf32>
      %add3A_459 = arith.constant 32 : i32
      %add3A_460 = vector.broadcast %add3A_459 : i32 to vector<16xi32>
      %add3A_461 = arith.addi %add3A_460, %iota3A : vector<16xi32>
      %gather3A_462 = tpu.vector_load_idx %arg13[%add3A_461, %add3A_438] : memref<64x128xf32, #tpu.memory_space<vmem>>[vector<16xi32>, vector<16xi32>], vector<16xf32>,
      %gather3A_463 = tpu.vector_load_idx %arg17[%add3A_461, %add3A_442] : memref<64x128xf32, #tpu.memory_space<vmem>>[vector<16xi32>, vector<16xi32>], vector<16xf32>,
      %mul3A_464 = arith.mulf %gather3A_462, %gather3A_463 : vector<16xf32>
      %add3A_465 = arith.addf %add3A_458, %mul3A_464 : vector<16xf32>
      %add3A_466 = arith.constant 48 : i32
      %add3A_467 = vector.broadcast %add3A_466 : i32 to vector<16xi32>
      %add3A_468 = arith.addi %add3A_467, %iota3A : vector<16xi32>
      %gather3A_469 = tpu.vector_load_idx %arg13[%add3A_468, %add3A_438] : memref<64x128xf32, #tpu.memory_space<vmem>>[vector<16xi32>, vector<16xi32>], vector<16xf32>,
      %gather3A_470 = tpu.vector_load_idx %arg17[%add3A_468, %add3A_442] : memref<64x128xf32, #tpu.memory_space<vmem>>[vector<16xi32>, vector<16xi32>], vector<16xf32>,
      %mul3A_471 = arith.mulf %gather3A_469, %gather3A_470 : vector<16xf32>
      %add3A_472 = arith.addf %add3A_465, %mul3A_471 : vector<16xf32>
      %xor3A_473 = arith.constant 1 : i32
      %xor3A_474 = vector.broadcast %xor3A_473 : i32 to vector<16xi32>
      %xor3A_475 = arith.xori %iota3A, %xor3A_474 : vector<16xi32>
      %broadcast_in_dim3A_476 = vector.shape_cast %xor3A_475 : vector<16xi32> to vector<16x1xi32>
      %gather3A_477 = vector.shape_cast %broadcast_in_dim3A_476 : vector<16x1xi32> to vector<16xi32>
      %gather3A_478 = tpu.dynamic_gather %add3A_472[%gather3A_477] in [0] : vector<16xf32>, vector<16xi32> -> vector<16xf32>
      %add3A_479 = arith.addf %add3A_472, %gather3A_478 : vector<16xf32>
      %xor3A_480 = arith.constant 2 : i32
      %xor3A_481 = vector.broadcast %xor3A_480 : i32 to vector<16xi32>
      %xor3A_482 = arith.xori %iota3A, %xor3A_481 : vector<16xi32>
      %broadcast_in_dim3A_483 = vector.shape_cast %xor3A_482 : vector<16xi32> to vector<16x1xi32>
      %gather3A_484 = vector.shape_cast %broadcast_in_dim3A_483 : vector<16x1xi32> to vector<16xi32>
      %gather3A_485 = tpu.dynamic_gather %add3A_479[%gather3A_484] in [0] : vector<16xf32>, vector<16xi32> -> vector<16xf32>
      %add3A_486 = arith.addf %add3A_479, %gather3A_485 : vector<16xf32>
      %xor3A_487 = arith.constant 4 : i32
      %xor3A_488 = vector.broadcast %xor3A_487 : i32 to vector<16xi32>
      %xor3A_489 = arith.xori %iota3A, %xor3A_488 : vector<16xi32>
      %broadcast_in_dim3A_490 = vector.shape_cast %xor3A_489 : vector<16xi32> to vector<16x1xi32>
      %gather3A_491 = vector.shape_cast %broadcast_in_dim3A_490 : vector<16x1xi32> to vector<16xi32>
      %gather3A_492 = tpu.dynamic_gather %add3A_486[%gather3A_491] in [0] : vector<16xf32>, vector<16xi32> -> vector<16xf32>
      %add3A_493 = arith.addf %add3A_486, %gather3A_492 : vector<16xf32>
      %xor3A_494 = arith.constant 8 : i32
      %xor3A_495 = vector.broadcast %xor3A_494 : i32 to vector<16xi32>
      %xor3A_496 = arith.xori %iota3A, %xor3A_495 : vector<16xi32>
      %broadcast_in_dim3A_497 = vector.shape_cast %xor3A_496 : vector<16xi32> to vector<16x1xi32>
      %gather3A_498 = vector.shape_cast %broadcast_in_dim3A_497 : vector<16x1xi32> to vector<16xi32>
      %gather3A_499 = tpu.dynamic_gather %add3A_493[%gather3A_498] in [0] : vector<16xf32>, vector<16xi32> -> vector<16xf32>
      %add3A_500 = arith.addf %add3A_493, %gather3A_499 : vector<16xf32>
      %gather3A_501 = tpu.vector_load_idx %arg21[%broadcast_in_dim3A_3, %add3A_438] : memref<1x128xf32, #tpu.memory_space<vmem>>[vector<16xi32>, vector<16xi32>], vector<16xf32>,
      %gather3A_502 = tpu.vector_load_idx %arg25[%broadcast_in_dim3A_3, %add3A_442] : memref<1x128xf32, #tpu.memory_space<vmem>>[vector<16xi32>, vector<16xi32>], vector<16xf32>,
      %add3A_503 = arith.addf %add3A_500, %gather3A_501 : vector<16xf32>
      %add3A_504 = arith.addf %add3A_503, %gather3A_502 : vector<16xf32>
      %add3A_505 = arith.constant 7.000000e+00 : f32
      %add3A_506 = vector.broadcast %add3A_505 : f32 to vector<16xf32>
      %add3A_507 = arith.addf %add3A_504, %add3A_506 : vector<16xf32>
      %shift_right_arithmetic3A_508 = arith.constant 4 : i32
      %shift_right_arithmetic3A_509 = arith.shrsi %add3A_402, %shift_right_arithmetic3A_508 : i32
      %shift_left3A_510 = arith.constant 4 : i32
      %shift_left3A_511 = arith.shli %shift_right_arithmetic3A_509, %shift_left3A_510 : i32
      %and3A_512 = arith.constant 15 : i32
      %and3A_513 = arith.andi %add3A_402, %and3A_512 : i32
      %eq3A_514 = vector.broadcast %and3A_513 : i32 to vector<16xi32>
      %eq3A_515 = arith.cmpi eq, %iota3A, %eq3A_514 : vector<16xi32>
      %get3A_516 = arith.index_cast %shift_left3A_511 : i32 to index
      %get3A_517 = tpu.vector_load %arg27[%get3A_516] {strides = array<i32>} : memref<512xf32, #tpu.memory_space<vmem>>, vector<16xf32>,
      %broadcast_in_dim3A_518 = arith.constant 0.000000e+00 : f32
      %broadcast_in_dim3A_519 = vector.broadcast %broadcast_in_dim3A_518 : f32 to vector<16xf32>
      %select_n3A_520 = arith.select %eq3A_515, %add3A_507, %broadcast_in_dim3A_519 : vector<16xi1>, vector<16xf32>
      %add3A_521 = arith.addf %get3A_517, %select_n3A_520 : vector<16xf32>
      %swap3A_522 = arith.index_cast %shift_left3A_511 : i32 to index
      %swap3A_523 = tpu.vector_load %arg27[%swap3A_522] {strides = array<i32>} : memref<512xf32, #tpu.memory_space<vmem>>, vector<16xf32>,
      tpu.vector_store %arg27[%swap3A_522], %add3A_521 {strides = array<i32>} : memref<512xf32, #tpu.memory_space<vmem>>, vector<16xf32>,
      %add3A_524 = arith.constant 4 : i32
      %add3A_525 = arith.addi %add3A_402, %add3A_524 : i32
      %lt3A_526 = arith.constant 512 : i32
      %lt3A_527 = arith.cmpi slt, %add3A_525, %lt3A_526 : i32
      %convert_element_type3A_528 = arith.extui %lt3A_527 : i1 to i32
      %cond3A_529 = arith.constant 0 : i32
      %cond3A_530 = arith.cmpi ne, %convert_element_type3A_528, %cond3A_529 : i32
      scf.if %cond3A_530 {
        %add3A_663 = arith.constant 4 : i32
        %add3A_664 = arith.addi %add3A_402, %add3A_663 : i32
        %get3A_665 = arith.index_cast %add3A_664 : i32 to index
        %get3A_666 = tpu.vector_load %arg9[%get3A_665] {strides = array<i32>} : memref<528xi32, #tpu.memory_space<vmem>>, vector<16xi32>,
        %slice3A_667 = vector.extract_strided_slice %get3A_666 {offsets = [0], sizes = [1], strides = [1]} : vector<16xi32> to vector<1xi32>
        %squeeze3A_668 = vector.extract %slice3A_667[0] : i32 from vector<1xi32>
        %get3A_669 = arith.index_cast %add3A_664 : i32 to index
        %get3A_670 = tpu.vector_load %arg10[%get3A_669] {strides = array<i32>} : memref<528xi32, #tpu.memory_space<vmem>>, vector<16xi32>,
        %slice3A_671 = vector.extract_strided_slice %get3A_670 {offsets = [0], sizes = [1], strides = [1]} : vector<16xi32> to vector<1xi32>
        %squeeze3A_672 = vector.extract %slice3A_671[0] : i32 from vector<1xi32>
        %shift_right_arithmetic3A_673 = arith.constant 7 : i32
        %shift_right_arithmetic3A_674 = arith.shrsi %squeeze3A_668, %shift_right_arithmetic3A_673 : i32
        %mul3A_675 = arith.constant 128 : i32
        %mul3A_676 = arith.muli %shift_right_arithmetic3A_674, %mul3A_675 : i32
        %multiple_of3A_677 = tpu.assume_multiple %mul3A_676, 128 : i32
        %shift_right_arithmetic3A_678 = arith.constant 7 : i32
        %shift_right_arithmetic3A_679 = arith.shrsi %squeeze3A_672, %shift_right_arithmetic3A_678 : i32
        %mul3A_680 = arith.constant 128 : i32
        %mul3A_681 = arith.muli %shift_right_arithmetic3A_679, %mul3A_680 : i32
        %multiple_of3A_682 = tpu.assume_multiple %mul3A_681, 128 : i32
        %dma_start3A_683 = arith.constant 0 : i32
        %dma_start3A_684 = tpu.memref_slice %arg4[%dma_start3A_683, %multiple_of3A_677] : memref<64x1000000xf32, #tpu.memory_space<hbm>> -> memref<64x128xf32, #tpu.memory_space<hbm>>
        %dma_start3A_685 = arith.constant 0 : i32
        %dma_start3A_686 = tpu.memref_slice %arg4[%dma_start3A_685, %multiple_of3A_677] : memref<64x1000000xf32, #tpu.memory_space<hbm>> -> memref<64x128xf32, #tpu.memory_space<hbm>>
        tpu.enqueue_dma source(%dma_start3A_686 : memref<64x128xf32, #tpu.memory_space<hbm>>) target(%arg13 : memref<64x128xf32, #tpu.memory_space<vmem>>) target_semaphore(%arg30 : memref<!tpu.dma_semaphore, #tpu.memory_space<semaphore_mem>>)
        %dma_start3A_687 = arith.constant 0 : i32
        %dma_start3A_688 = tpu.memref_slice %arg5[%dma_start3A_687, %multiple_of3A_682] : memref<64x1000000xf32, #tpu.memory_space<hbm>> -> memref<64x128xf32, #tpu.memory_space<hbm>>
        %dma_start3A_689 = arith.constant 0 : i32
        %dma_start3A_690 = tpu.memref_slice %arg5[%dma_start3A_689, %multiple_of3A_682] : memref<64x1000000xf32, #tpu.memory_space<hbm>> -> memref<64x128xf32, #tpu.memory_space<hbm>>
        tpu.enqueue_dma source(%dma_start3A_690 : memref<64x128xf32, #tpu.memory_space<hbm>>) target(%arg17 : memref<64x128xf32, #tpu.memory_space<vmem>>) target_semaphore(%arg34 : memref<!tpu.dma_semaphore, #tpu.memory_space<semaphore_mem>>)
        %dma_start3A_691 = arith.constant 0 : i32
        %dma_start3A_692 = tpu.memref_slice %arg6[%dma_start3A_691, %multiple_of3A_677] : memref<1x1000000xf32, #tpu.memory_space<hbm>> -> memref<1x128xf32, #tpu.memory_space<hbm>>
        %dma_start3A_693 = arith.constant 0 : i32
        %dma_start3A_694 = tpu.memref_slice %arg6[%dma_start3A_693, %multiple_of3A_677] : memref<1x1000000xf32, #tpu.memory_space<hbm>> -> memref<1x128xf32, #tpu.memory_space<hbm>>
        tpu.enqueue_dma source(%dma_start3A_694 : memref<1x128xf32, #tpu.memory_space<hbm>>) target(%arg21 : memref<1x128xf32, #tpu.memory_space<vmem>>) target_semaphore(%arg38 : memref<!tpu.dma_semaphore, #tpu.memory_space<semaphore_mem>>)
        %dma_start3A_695 = arith.constant 0 : i32
        %dma_start3A_696 = tpu.memref_slice %arg7[%dma_start3A_695, %multiple_of3A_682] : memref<1x1000000xf32, #tpu.memory_space<hbm>> -> memref<1x128xf32, #tpu.memory_space<hbm>>
        %dma_start3A_697 = arith.constant 0 : i32
        %dma_start3A_698 = tpu.memref_slice %arg7[%dma_start3A_697, %multiple_of3A_682] : memref<1x1000000xf32, #tpu.memory_space<hbm>> -> memref<1x128xf32, #tpu.memory_space<hbm>>
        tpu.enqueue_dma source(%dma_start3A_698 : memref<1x128xf32, #tpu.memory_space<hbm>>) target(%arg25 : memref<1x128xf32, #tpu.memory_space<vmem>>) target_semaphore(%arg38 : memref<!tpu.dma_semaphore, #tpu.memory_space<semaphore_mem>>)
      } else {
      }
      %mul3A_531 = arith.constant 4 : i32
      %mul3A_532 = arith.muli %mul3A_531, %scan3A_145 : i32
      %add3A_533 = arith.constant 3 : i32
      %add3A_534 = arith.addi %mul3A_532, %add3A_533 : i32
      %dma_wait3A_535 = arith.constant 0 : i32
      %dma_wait3A_536 = arith.constant 0 : i32
      %dma_wait3A_537 = tpu.memref_slice %arg4[%dma_wait3A_535, %dma_wait3A_536] : memref<64x1000000xf32, #tpu.memory_space<hbm>> -> memref<64x128xf32, #tpu.memory_space<hbm>>
      %dma_wait3A_538 = arith.constant 0 : i32
      %dma_wait3A_539 = arith.constant 0 : i32
      %dma_wait3A_540 = tpu.memref_slice %arg4[%dma_wait3A_538, %dma_wait3A_539] : memref<64x1000000xf32, #tpu.memory_space<hbm>> -> memref<64x128xf32, #tpu.memory_space<hbm>>
      tpu.wait_dma2 semaphore(%arg31 : memref<!tpu.dma_semaphore, #tpu.memory_space<semaphore_mem>>) src(%dma_wait3A_540 : memref<64x128xf32, #tpu.memory_space<hbm>>) dst(%arg14 : memref<64x128xf32, #tpu.memory_space<vmem>>)
      %dma_wait3A_541 = arith.constant 0 : i32
      %dma_wait3A_542 = arith.constant 0 : i32
      %dma_wait3A_543 = tpu.memref_slice %arg5[%dma_wait3A_541, %dma_wait3A_542] : memref<64x1000000xf32, #tpu.memory_space<hbm>> -> memref<64x128xf32, #tpu.memory_space<hbm>>
      %dma_wait3A_544 = arith.constant 0 : i32
      %dma_wait3A_545 = arith.constant 0 : i32
      %dma_wait3A_546 = tpu.memref_slice %arg5[%dma_wait3A_544, %dma_wait3A_545] : memref<64x1000000xf32, #tpu.memory_space<hbm>> -> memref<64x128xf32, #tpu.memory_space<hbm>>
      tpu.wait_dma2 semaphore(%arg35 : memref<!tpu.dma_semaphore, #tpu.memory_space<semaphore_mem>>) src(%dma_wait3A_546 : memref<64x128xf32, #tpu.memory_space<hbm>>) dst(%arg18 : memref<64x128xf32, #tpu.memory_space<vmem>>)
      %dma_wait3A_547 = arith.constant 0 : i32
      %dma_wait3A_548 = arith.constant 0 : i32
      %dma_wait3A_549 = tpu.memref_slice %arg6[%dma_wait3A_547, %dma_wait3A_548] : memref<1x1000000xf32, #tpu.memory_space<hbm>> -> memref<1x128xf32, #tpu.memory_space<hbm>>
      %dma_wait3A_550 = arith.constant 0 : i32
      %dma_wait3A_551 = arith.constant 0 : i32
      %dma_wait3A_552 = tpu.memref_slice %arg6[%dma_wait3A_550, %dma_wait3A_551] : memref<1x1000000xf32, #tpu.memory_space<hbm>> -> memref<1x128xf32, #tpu.memory_space<hbm>>
      tpu.wait_dma2 semaphore(%arg39 : memref<!tpu.dma_semaphore, #tpu.memory_space<semaphore_mem>>) src(%dma_wait3A_552 : memref<1x128xf32, #tpu.memory_space<hbm>>) dst(%arg22 : memref<1x128xf32, #tpu.memory_space<vmem>>)
      %dma_wait3A_553 = arith.constant 0 : i32
      %dma_wait3A_554 = arith.constant 0 : i32
      %dma_wait3A_555 = tpu.memref_slice %arg7[%dma_wait3A_553, %dma_wait3A_554] : memref<1x1000000xf32, #tpu.memory_space<hbm>> -> memref<1x128xf32, #tpu.memory_space<hbm>>
      %dma_wait3A_556 = arith.constant 0 : i32
      %dma_wait3A_557 = arith.constant 0 : i32
      %dma_wait3A_558 = tpu.memref_slice %arg7[%dma_wait3A_556, %dma_wait3A_557] : memref<1x1000000xf32, #tpu.memory_space<hbm>> -> memref<1x128xf32, #tpu.memory_space<hbm>>
      tpu.wait_dma2 semaphore(%arg39 : memref<!tpu.dma_semaphore, #tpu.memory_space<semaphore_mem>>) src(%dma_wait3A_558 : memref<1x128xf32, #tpu.memory_space<hbm>>) dst(%arg26 : memref<1x128xf32, #tpu.memory_space<vmem>>)
      %get3A_559 = arith.index_cast %add3A_534 : i32 to index
      %get3A_560 = tpu.vector_load %arg9[%get3A_559] {strides = array<i32>} : memref<528xi32, #tpu.memory_space<vmem>>, vector<16xi32>,
      %slice3A_561 = vector.extract_strided_slice %get3A_560 {offsets = [0], sizes = [1], strides = [1]} : vector<16xi32> to vector<1xi32>
      %squeeze3A_562 = vector.extract %slice3A_561[0] : i32 from vector<1xi32>
      %get3A_563 = arith.index_cast %add3A_534 : i32 to index
      %get3A_564 = tpu.vector_load %arg10[%get3A_563] {strides = array<i32>} : memref<528xi32, #tpu.memory_space<vmem>>, vector<16xi32>,
      %slice3A_565 = vector.extract_strided_slice %get3A_564 {offsets = [0], sizes = [1], strides = [1]} : vector<16xi32> to vector<1xi32>
      %squeeze3A_566 = vector.extract %slice3A_565[0] : i32 from vector<1xi32>
      %and3A_567 = arith.constant 127 : i32
      %and3A_568 = arith.andi %squeeze3A_562, %and3A_567 : i32
      %add3A_569 = vector.broadcast %and3A_568 : i32 to vector<16xi32>
      %add3A_570 = arith.addi %broadcast_in_dim3A_3, %add3A_569 : vector<16xi32>
      %and3A_571 = arith.constant 127 : i32
      %and3A_572 = arith.andi %squeeze3A_566, %and3A_571 : i32
      %add3A_573 = vector.broadcast %and3A_572 : i32 to vector<16xi32>
      %add3A_574 = arith.addi %broadcast_in_dim3A_3, %add3A_573 : vector<16xi32>
      %broadcast_in_dim3A_575 = arith.constant 0.000000e+00 : f32
      %broadcast_in_dim3A_576 = vector.broadcast %broadcast_in_dim3A_575 : f32 to vector<16xf32>
      %add3A_577 = arith.constant 0 : i32
      %add3A_578 = vector.broadcast %add3A_577 : i32 to vector<16xi32>
      %add3A_579 = arith.addi %add3A_578, %iota3A : vector<16xi32>
      %gather3A_580 = tpu.vector_load_idx %arg14[%add3A_579, %add3A_570] : memref<64x128xf32, #tpu.memory_space<vmem>>[vector<16xi32>, vector<16xi32>], vector<16xf32>,
      %gather3A_581 = tpu.vector_load_idx %arg18[%add3A_579, %add3A_574] : memref<64x128xf32, #tpu.memory_space<vmem>>[vector<16xi32>, vector<16xi32>], vector<16xf32>,
      %mul3A_582 = arith.mulf %gather3A_580, %gather3A_581 : vector<16xf32>
      %add3A_583 = arith.addf %broadcast_in_dim3A_576, %mul3A_582 : vector<16xf32>
      %add3A_584 = arith.constant 16 : i32
      %add3A_585 = vector.broadcast %add3A_584 : i32 to vector<16xi32>
      %add3A_586 = arith.addi %add3A_585, %iota3A : vector<16xi32>
      %gather3A_587 = tpu.vector_load_idx %arg14[%add3A_586, %add3A_570] : memref<64x128xf32, #tpu.memory_space<vmem>>[vector<16xi32>, vector<16xi32>], vector<16xf32>,
      %gather3A_588 = tpu.vector_load_idx %arg18[%add3A_586, %add3A_574] : memref<64x128xf32, #tpu.memory_space<vmem>>[vector<16xi32>, vector<16xi32>], vector<16xf32>,
      %mul3A_589 = arith.mulf %gather3A_587, %gather3A_588 : vector<16xf32>
      %add3A_590 = arith.addf %add3A_583, %mul3A_589 : vector<16xf32>
      %add3A_591 = arith.constant 32 : i32
      %add3A_592 = vector.broadcast %add3A_591 : i32 to vector<16xi32>
      %add3A_593 = arith.addi %add3A_592, %iota3A : vector<16xi32>
      %gather3A_594 = tpu.vector_load_idx %arg14[%add3A_593, %add3A_570] : memref<64x128xf32, #tpu.memory_space<vmem>>[vector<16xi32>, vector<16xi32>], vector<16xf32>,
      %gather3A_595 = tpu.vector_load_idx %arg18[%add3A_593, %add3A_574] : memref<64x128xf32, #tpu.memory_space<vmem>>[vector<16xi32>, vector<16xi32>], vector<16xf32>,
      %mul3A_596 = arith.mulf %gather3A_594, %gather3A_595 : vector<16xf32>
      %add3A_597 = arith.addf %add3A_590, %mul3A_596 : vector<16xf32>
      %add3A_598 = arith.constant 48 : i32
      %add3A_599 = vector.broadcast %add3A_598 : i32 to vector<16xi32>
      %add3A_600 = arith.addi %add3A_599, %iota3A : vector<16xi32>
      %gather3A_601 = tpu.vector_load_idx %arg14[%add3A_600, %add3A_570] : memref<64x128xf32, #tpu.memory_space<vmem>>[vector<16xi32>, vector<16xi32>], vector<16xf32>,
      %gather3A_602 = tpu.vector_load_idx %arg18[%add3A_600, %add3A_574] : memref<64x128xf32, #tpu.memory_space<vmem>>[vector<16xi32>, vector<16xi32>], vector<16xf32>,
      %mul3A_603 = arith.mulf %gather3A_601, %gather3A_602 : vector<16xf32>
      %add3A_604 = arith.addf %add3A_597, %mul3A_603 : vector<16xf32>
      %xor3A_605 = arith.constant 1 : i32
      %xor3A_606 = vector.broadcast %xor3A_605 : i32 to vector<16xi32>
      %xor3A_607 = arith.xori %iota3A, %xor3A_606 : vector<16xi32>
      %broadcast_in_dim3A_608 = vector.shape_cast %xor3A_607 : vector<16xi32> to vector<16x1xi32>
      %gather3A_609 = vector.shape_cast %broadcast_in_dim3A_608 : vector<16x1xi32> to vector<16xi32>
      %gather3A_610 = tpu.dynamic_gather %add3A_604[%gather3A_609] in [0] : vector<16xf32>, vector<16xi32> -> vector<16xf32>
      %add3A_611 = arith.addf %add3A_604, %gather3A_610 : vector<16xf32>
      %xor3A_612 = arith.constant 2 : i32
      %xor3A_613 = vector.broadcast %xor3A_612 : i32 to vector<16xi32>
      %xor3A_614 = arith.xori %iota3A, %xor3A_613 : vector<16xi32>
      %broadcast_in_dim3A_615 = vector.shape_cast %xor3A_614 : vector<16xi32> to vector<16x1xi32>
      %gather3A_616 = vector.shape_cast %broadcast_in_dim3A_615 : vector<16x1xi32> to vector<16xi32>
      %gather3A_617 = tpu.dynamic_gather %add3A_611[%gather3A_616] in [0] : vector<16xf32>, vector<16xi32> -> vector<16xf32>
      %add3A_618 = arith.addf %add3A_611, %gather3A_617 : vector<16xf32>
      %xor3A_619 = arith.constant 4 : i32
      %xor3A_620 = vector.broadcast %xor3A_619 : i32 to vector<16xi32>
      %xor3A_621 = arith.xori %iota3A, %xor3A_620 : vector<16xi32>
      %broadcast_in_dim3A_622 = vector.shape_cast %xor3A_621 : vector<16xi32> to vector<16x1xi32>
      %gather3A_623 = vector.shape_cast %broadcast_in_dim3A_622 : vector<16x1xi32> to vector<16xi32>
      %gather3A_624 = tpu.dynamic_gather %add3A_618[%gather3A_623] in [0] : vector<16xf32>, vector<16xi32> -> vector<16xf32>
      %add3A_625 = arith.addf %add3A_618, %gather3A_624 : vector<16xf32>
      %xor3A_626 = arith.constant 8 : i32
      %xor3A_627 = vector.broadcast %xor3A_626 : i32 to vector<16xi32>
      %xor3A_628 = arith.xori %iota3A, %xor3A_627 : vector<16xi32>
      %broadcast_in_dim3A_629 = vector.shape_cast %xor3A_628 : vector<16xi32> to vector<16x1xi32>
      %gather3A_630 = vector.shape_cast %broadcast_in_dim3A_629 : vector<16x1xi32> to vector<16xi32>
      %gather3A_631 = tpu.dynamic_gather %add3A_625[%gather3A_630] in [0] : vector<16xf32>, vector<16xi32> -> vector<16xf32>
      %add3A_632 = arith.addf %add3A_625, %gather3A_631 : vector<16xf32>
      %gather3A_633 = tpu.vector_load_idx %arg22[%broadcast_in_dim3A_3, %add3A_570] : memref<1x128xf32, #tpu.memory_space<vmem>>[vector<16xi32>, vector<16xi32>], vector<16xf32>,
      %gather3A_634 = tpu.vector_load_idx %arg26[%broadcast_in_dim3A_3, %add3A_574] : memref<1x128xf32, #tpu.memory_space<vmem>>[vector<16xi32>, vector<16xi32>], vector<16xf32>,
      %add3A_635 = arith.addf %add3A_632, %gather3A_633 : vector<16xf32>
      %add3A_636 = arith.addf %add3A_635, %gather3A_634 : vector<16xf32>
      %add3A_637 = arith.constant 7.000000e+00 : f32
      %add3A_638 = vector.broadcast %add3A_637 : f32 to vector<16xf32>
      %add3A_639 = arith.addf %add3A_636, %add3A_638 : vector<16xf32>
      %shift_right_arithmetic3A_640 = arith.constant 4 : i32
      %shift_right_arithmetic3A_641 = arith.shrsi %add3A_534, %shift_right_arithmetic3A_640 : i32
      %shift_left3A_642 = arith.constant 4 : i32
      %shift_left3A_643 = arith.shli %shift_right_arithmetic3A_641, %shift_left3A_642 : i32
      %and3A_644 = arith.constant 15 : i32
      %and3A_645 = arith.andi %add3A_534, %and3A_644 : i32
      %eq3A_646 = vector.broadcast %and3A_645 : i32 to vector<16xi32>
      %eq3A_647 = arith.cmpi eq, %iota3A, %eq3A_646 : vector<16xi32>
      %get3A_648 = arith.index_cast %shift_left3A_643 : i32 to index
      %get3A_649 = tpu.vector_load %arg27[%get3A_648] {strides = array<i32>} : memref<512xf32, #tpu.memory_space<vmem>>, vector<16xf32>,
      %broadcast_in_dim3A_650 = arith.constant 0.000000e+00 : f32
      %broadcast_in_dim3A_651 = vector.broadcast %broadcast_in_dim3A_650 : f32 to vector<16xf32>
      %select_n3A_652 = arith.select %eq3A_647, %add3A_639, %broadcast_in_dim3A_651 : vector<16xi1>, vector<16xf32>
      %add3A_653 = arith.addf %get3A_649, %select_n3A_652 : vector<16xf32>
      %swap3A_654 = arith.index_cast %shift_left3A_643 : i32 to index
      %swap3A_655 = tpu.vector_load %arg27[%swap3A_654] {strides = array<i32>} : memref<512xf32, #tpu.memory_space<vmem>>, vector<16xf32>,
      tpu.vector_store %arg27[%swap3A_654], %add3A_653 {strides = array<i32>} : memref<512xf32, #tpu.memory_space<vmem>>, vector<16xf32>,
      %add3A_656 = arith.constant 4 : i32
      %add3A_657 = arith.addi %add3A_534, %add3A_656 : i32
      %lt3A_658 = arith.constant 512 : i32
      %lt3A_659 = arith.cmpi slt, %add3A_657, %lt3A_658 : i32
      %convert_element_type3A_660 = arith.extui %lt3A_659 : i1 to i32
      %cond3A_661 = arith.constant 0 : i32
      %cond3A_662 = arith.cmpi ne, %convert_element_type3A_660, %cond3A_661 : i32
      scf.if %cond3A_662 {
        %add3A_663 = arith.constant 4 : i32
        %add3A_664 = arith.addi %add3A_534, %add3A_663 : i32
        %get3A_665 = arith.index_cast %add3A_664 : i32 to index
        %get3A_666 = tpu.vector_load %arg9[%get3A_665] {strides = array<i32>} : memref<528xi32, #tpu.memory_space<vmem>>, vector<16xi32>,
        %slice3A_667 = vector.extract_strided_slice %get3A_666 {offsets = [0], sizes = [1], strides = [1]} : vector<16xi32> to vector<1xi32>
        %squeeze3A_668 = vector.extract %slice3A_667[0] : i32 from vector<1xi32>
        %get3A_669 = arith.index_cast %add3A_664 : i32 to index
        %get3A_670 = tpu.vector_load %arg10[%get3A_669] {strides = array<i32>} : memref<528xi32, #tpu.memory_space<vmem>>, vector<16xi32>,
        %slice3A_671 = vector.extract_strided_slice %get3A_670 {offsets = [0], sizes = [1], strides = [1]} : vector<16xi32> to vector<1xi32>
        %squeeze3A_672 = vector.extract %slice3A_671[0] : i32 from vector<1xi32>
        %shift_right_arithmetic3A_673 = arith.constant 7 : i32
        %shift_right_arithmetic3A_674 = arith.shrsi %squeeze3A_668, %shift_right_arithmetic3A_673 : i32
        %mul3A_675 = arith.constant 128 : i32
        %mul3A_676 = arith.muli %shift_right_arithmetic3A_674, %mul3A_675 : i32
        %multiple_of3A_677 = tpu.assume_multiple %mul3A_676, 128 : i32
        %shift_right_arithmetic3A_678 = arith.constant 7 : i32
        %shift_right_arithmetic3A_679 = arith.shrsi %squeeze3A_672, %shift_right_arithmetic3A_678 : i32
        %mul3A_680 = arith.constant 128 : i32
        %mul3A_681 = arith.muli %shift_right_arithmetic3A_679, %mul3A_680 : i32
        %multiple_of3A_682 = tpu.assume_multiple %mul3A_681, 128 : i32
        %dma_start3A_683 = arith.constant 0 : i32
        %dma_start3A_684 = tpu.memref_slice %arg4[%dma_start3A_683, %multiple_of3A_677] : memref<64x1000000xf32, #tpu.memory_space<hbm>> -> memref<64x128xf32, #tpu.memory_space<hbm>>
        %dma_start3A_685 = arith.constant 0 : i32
        %dma_start3A_686 = tpu.memref_slice %arg4[%dma_start3A_685, %multiple_of3A_677] : memref<64x1000000xf32, #tpu.memory_space<hbm>> -> memref<64x128xf32, #tpu.memory_space<hbm>>
        tpu.enqueue_dma source(%dma_start3A_686 : memref<64x128xf32, #tpu.memory_space<hbm>>) target(%arg14 : memref<64x128xf32, #tpu.memory_space<vmem>>) target_semaphore(%arg31 : memref<!tpu.dma_semaphore, #tpu.memory_space<semaphore_mem>>)
        %dma_start3A_687 = arith.constant 0 : i32
        %dma_start3A_688 = tpu.memref_slice %arg5[%dma_start3A_687, %multiple_of3A_682] : memref<64x1000000xf32, #tpu.memory_space<hbm>> -> memref<64x128xf32, #tpu.memory_space<hbm>>
        %dma_start3A_689 = arith.constant 0 : i32
        %dma_start3A_690 = tpu.memref_slice %arg5[%dma_start3A_689, %multiple_of3A_682] : memref<64x1000000xf32, #tpu.memory_space<hbm>> -> memref<64x128xf32, #tpu.memory_space<hbm>>
        tpu.enqueue_dma source(%dma_start3A_690 : memref<64x128xf32, #tpu.memory_space<hbm>>) target(%arg18 : memref<64x128xf32, #tpu.memory_space<vmem>>) target_semaphore(%arg35 : memref<!tpu.dma_semaphore, #tpu.memory_space<semaphore_mem>>)
        %dma_start3A_691 = arith.constant 0 : i32
        %dma_start3A_692 = tpu.memref_slice %arg6[%dma_start3A_691, %multiple_of3A_677] : memref<1x1000000xf32, #tpu.memory_space<hbm>> -> memref<1x128xf32, #tpu.memory_space<hbm>>
        %dma_start3A_693 = arith.constant 0 : i32
        %dma_start3A_694 = tpu.memref_slice %arg6[%dma_start3A_693, %multiple_of3A_677] : memref<1x1000000xf32, #tpu.memory_space<hbm>> -> memref<1x128xf32, #tpu.memory_space<hbm>>
        tpu.enqueue_dma source(%dma_start3A_694 : memref<1x128xf32, #tpu.memory_space<hbm>>) target(%arg22 : memref<1x128xf32, #tpu.memory_space<vmem>>) target_semaphore(%arg39 : memref<!tpu.dma_semaphore, #tpu.memory_space<semaphore_mem>>)
        %dma_start3A_695 = arith.constant 0 : i32
        %dma_start3A_696 = tpu.memref_slice %arg7[%dma_start3A_695, %multiple_of3A_682] : memref<1x1000000xf32, #tpu.memory_space<hbm>> -> memref<1x128xf32, #tpu.memory_space<hbm>>
        %dma_start3A_697 = arith.constant 0 : i32
        %dma_start3A_698 = tpu.memref_slice %arg7[%dma_start3A_697, %multiple_of3A_682] : memref<1x1000000xf32, #tpu.memory_space<hbm>> -> memref<1x128xf32, #tpu.memory_space<hbm>>
        tpu.enqueue_dma source(%dma_start3A_698 : memref<1x128xf32, #tpu.memory_space<hbm>>) target(%arg26 : memref<1x128xf32, #tpu.memory_space<vmem>>) target_semaphore(%arg39 : memref<!tpu.dma_semaphore, #tpu.memory_space<semaphore_mem>>)
      } else {
      }
    }
    %scan3A_144 = arith.constant 128 : i32
    "tpu.region"() ({
      %run_scoped3A = tpu.sem_alloc : memref<!tpu.dma_semaphore, #tpu.memory_space<semaphore_mem>>
      %dma_start3A_145 = tpu.memref_slice %arg8[%mul3A_2] : memref<16384xf32, #tpu.memory_space<hbm>> -> memref<512xf32, #tpu.memory_space<hbm>>
      %dma_start3A_146 = tpu.memref_slice %arg8[%mul3A_2] : memref<16384xf32, #tpu.memory_space<hbm>> -> memref<512xf32, #tpu.memory_space<hbm>>
      tpu.enqueue_dma source(%arg27 : memref<512xf32, #tpu.memory_space<vmem>>) target(%dma_start3A_146 : memref<512xf32, #tpu.memory_space<hbm>>) target_semaphore(%run_scoped3A : memref<!tpu.dma_semaphore, #tpu.memory_space<semaphore_mem>>)
      %dma_wait3A = tpu.memref_slice %arg8[%mul3A_2] : memref<16384xf32, #tpu.memory_space<hbm>> -> memref<512xf32, #tpu.memory_space<hbm>>
      %dma_wait3A_147 = tpu.memref_slice %arg8[%mul3A_2] : memref<16384xf32, #tpu.memory_space<hbm>> -> memref<512xf32, #tpu.memory_space<hbm>>
      tpu.wait_dma2 semaphore(%run_scoped3A : memref<!tpu.dma_semaphore, #tpu.memory_space<semaphore_mem>>) src(%arg27 : memref<512xf32, #tpu.memory_space<vmem>>) dst(%dma_wait3A_147 : memref<512xf32, #tpu.memory_space<hbm>>)
      tpu.yield
    }) : () -> ()
    return
  }
}

</mosaic_0001>

<sc_bundles>
// kernel: kernel.3.cloned.1.call-start
scs
__scs_entry_jumppad:
0x0: {  	(pc) =	sbr.rel $0x88, $3  }
0x1: {  	(tag) =	ssettag $0x0;
	lr =	simm.s32 $0x1  }
0x2: {  	[smem:$0x3F9B] =	sst lr;
	_ =	strace $0xD0000000  }
0x3: {  	_ = 	snop  }
0x4: {  	_ = 	snop  }
0x5: {  	_ = 	snop  }
0x6: {  	_ = 	snop  }
0x7: {  	_ = 	snop  }
__scs_overlays_trampoline_lowered:
0x8: {  	[smem:$0x3FAA] =	sst s0  }
0x9: {  	[smem:$0x3FAB] =	sst s1  }
0xa: {  	[smem:$0x3FAC] =	sst s2  }
0xb: {  	[smem:$0x3FAD] =	sst s3  }
0xc: {  	[smem:$0x3FAE] =	sst s4  }
0xd: {  	[smem:$0x3FAF] =	sst s5  }
0xe: {  	[smem:$0x3FB0] =	sst s6  }
0xf: {  	[smem:$0x3FB1] =	sst s7  }
0x10: {  	[smem:$0x3FB2] =	sst s8  }
0x11: {  	[smem:$0x3FB3] =	sst s9;
	s0 =	simm.s32 @!p0 $0x0  }
0x12: {  	s1 =	sld [smem:$0x3F99];
	s0 =	simm.s32 @p0 $0x1  }
0x13: {  	[smem:$0x3FB4] =	sst s0;
	s0 =	simm.s32 @!p1 $0x0  }
0x14: {  	s2 =	sld [smem:$0x3F98];
	s0 =	simm.s32 @p1 $0x1  }
0x15: {  	[smem:$0x3FB5] =	sst s0;
	s0 =	simm.s32 @!p2 $0x0  }
0x16: {  	s3 =	sld [smem:$0x3FDB];
	s0 =	simm.s32 @p2 $0x1  }
0x17: {  	s4 =	simm.s32 $0x1BF5;
	[smem:$0x3FB7] =	sst s0  }
0x18: {  	s0 =	sld [smem:$0x3F9A];
	_ =	swait.ge [sflag:s4], $0x0  }
0x19: {  	s7 =	sld [smem:$0x3F9B]  }
0x1a: {  	s8 =	sadd.s32 $0xFFFFE003, lr  }
0x1b: {  	s9 =	sadd.s32 $0xFFFFFEF7, lr;
	s5 =	simm.s32 $0xFFFFFFFF;
	p2 =	slt.u32 s8, $0xFFFFF086  }
0x1c: {  	p1 =	slt.u32 s9, $0xF7A;
	s5 =	simm.s32 @!p2 $0x0  }
0x1d: {  	s5 =	simm.s32 @p1 $0x1;
	p0 =	seq.s32 s7, s2  }
0x1e: {  	s7 =	smul.u32 @!p0 $0xF7A, s2;
	p2 =	seq.s32 @!p0 s5, $0x0  }
0x1f: {  	s9 =	smul.u32 $0xF7A, s1;
	s8 =	simm.s32 @!p0 $0x1BF5;
	p2 =	por !p2, p0  }
0x20: {  	[sflag:s8] =	ssyncset.s32 @!p0 $0xFFFFF086;
	s6 =	sadd.s32 @!p0 s3, s7;
	s7 =	simm.s32 @!p0 $0x108  }
0x21: {  	s3 =	sadd.s32 s3, s9;
	s6 =	sadd.s32 @!p0 $0x88, s6;
	s7 =	simm.s32 @p2 $0x1082  }
0x22: {  	[simem:s7], [sflag:s8] =	dma.local @!p0 [hbm:s6], $0xF7A  }
0x23: {  	s9 =	sor.u32 $0xD0000000, s2;
	s6 =	simm.s32 $0x108;
	_ =	swait.ge @!p0 [sflag:s8], $0x0  }
0x24: {  	s3 =	sadd.s32 $0x88, s3;
	s6 =	simm.s32 @!p1 $0x1082;
	[sflag:s4] =	ssyncset.s32 $0xFFFFF086  }
0x25: {  	[simem:s6], [sflag:s4] =	dma.local [hbm:s3], $0xF7A  }
0x26: {  	[smem:$0x3F9B] =	sst s1;
	(tag) =	ssettag s2;
	_ =	strace s9  }
0x27: {  	s1 =	sld [smem:$0x3FAB]  }
0x28: {  	s2 =	sld [smem:$0x3FAC]  }
0x29: {  	s4 =	sld [smem:$0x3FAE]  }
0x2a: {  	p0 =	seq.s32 s5, $0x0;
	s5 =	sld [smem:$0x3FAF]  }
0x2b: {  	s6 =	sld [smem:$0x3FB0]  }
0x2c: {  	s7 =	sld [smem:$0x3FB1]  }
0x2d: {  	s3 =	simm.s32 $0x108;
	s8 =	sld [smem:$0x3FB2]  }
0x2e: {  	s3 =	simm.s32 @!p0 $0x1082;
	s9 =	sld [smem:$0x3FB3]  }
0x2f: {  	lr =	sadd.s32 s0, s3;
	s0 =	sld [smem:$0x3FAA]  }
0x30: {  	s3 =	sld [smem:$0x3FAD]  }
0x31: {  	[smem:$0x3FB6] =	sst s10  }
0x32: {  	s10 =	sld [smem:$0x3FB4];
	_ =	sdelay $0x3  }
0x33: {  	p0 =	seq.s32 s10, $0x1;
	s10 =	sld [smem:$0x3FB6];
	_ =	sdelay $0x3  }
0x34: {  	[smem:$0x3FB6] =	sst s10  }
0x35: {  	s10 =	sld [smem:$0x3FB5];
	_ =	sdelay $0x3  }
0x36: {  	p1 =	seq.s32 s10, $0x1;
	s10 =	sld [smem:$0x3FB6];
	_ =	sdelay $0x3  }
0x37: {  	[smem:$0x3FB6] =	sst s10  }
0x38: {  	s10 =	sld [smem:$0x3FB7]  }
0x39: {  	_ = 	snop;
	(pc) =	sbr.ind lr, $3  }
0x3a: {  	_ = 	snop  }
0x3b: {  	_ = 	snop  }
0x3c: {  	p2 =	seq.s32 s10, $0x1;
	s10 =	sld [smem:$0x3FB6]  }
0x3d: {  	_ =	shalt  }
0x3e: {  	_ =	shalt  }
0x3f: {  	_ =	shalt  }
0x40: {  	_ =	shalt  }
0x41: {  	_ =	shalt  }
0x42: {  	_ =	shalt  }
0x43: {  	_ =	shalt  }
0x44: {  	_ =	shalt  }
0x45: {  	_ =	shalt  }
0x46: {  	_ =	shalt  }
0x47: {  	_ =	shalt  }
0x48: {  	_ =	shalt  }
0x49: {  	_ =	shalt  }
0x4a: {  	_ =	shalt  }
0x4b: {  	_ =	shalt  }
0x4c: {  	_ =	shalt  }
0x4d: {  	_ =	shalt  }
0x4e: {  	_ =	shalt  }
0x4f: {  	_ =	shalt  }
0x50: {  	_ =	shalt  }
0x51: {  	_ =	shalt  }
0x52: {  	_ =	shalt  }
0x53: {  	_ =	shalt  }
0x54: {  	_ =	shalt  }
0x55: {  	_ =	shalt  }
0x56: {  	_ =	shalt  }
0x57: {  	_ =	shalt  }
0x58: {  	_ =	shalt  }
0x59: {  	_ =	shalt  }
0x5a: {  	_ =	shalt  }
0x5b: {  	_ =	shalt  }
0x5c: {  	_ =	shalt  }
0x5d: {  	_ =	shalt  }
0x5e: {  	_ =	shalt  }
0x5f: {  	_ =	shalt  }
0x60: {  	_ =	shalt  }
0x61: {  	_ =	shalt  }
0x62: {  	_ =	shalt  }
0x63: {  	_ =	shalt  }
0x64: {  	_ =	shalt  }
0x65: {  	_ =	shalt  }
0x66: {  	_ =	shalt  }
0x67: {  	_ =	shalt  }
0x68: {  	_ =	shalt  }
0x69: {  	_ =	shalt  }
0x6a: {  	_ =	shalt  }
0x6b: {  	_ =	shalt  }
0x6c: {  	_ =	shalt  }
0x6d: {  	_ =	shalt  }
0x6e: {  	_ =	shalt  }
0x6f: {  	_ =	shalt  }
0x70: {  	_ =	shalt  }
0x71: {  	_ =	shalt  }
0x72: {  	_ =	shalt  }
0x73: {  	_ =	shalt  }
0x74: {  	_ =	shalt  }
0x75: {  	_ =	shalt  }
0x76: {  	_ =	shalt  }
0x77: {  	_ =	shalt  }
0x78: {  	_ =	shalt  }
0x79: {  	_ =	shalt  }
0x7a: {  	_ =	shalt  }
0x7b: {  	_ =	shalt  }
0x7c: {  	_ =	shalt  }
0x7d: {  	_ =	shalt  }
0x7e: {  	_ =	shalt  }
0x7f: {  	_ =	shalt  }
0x80: {  	_ =	shalt  }
0x81: {  	_ =	shalt  }
0x82: {  	_ =	shalt  }
0x83: {  	_ =	shalt  }
0x84: {  	_ =	shalt  }
0x85: {  	_ =	shalt  }
0x86: {  	_ =	shalt  }
0x87: {  	_ =	shalt  }
.Lfunc_end0:
.L_simem_size_0:
called_computation_lowered:
.L_overlay_start_0:
0x88: {  	s2 =	sld [smem:$0x3FD9]  }
0x89: {  	s3 =	sld [smem:$0x3FFE];
	_ =	sdelay $0x1  }
0x8a: {  	s1 =	srdreg.scid  }
0x8b: {  	s0 =	sand.u32 $0x1, s1  }
0x8c: {  	s18 =	sshll.u32 s0, $0xA;
	s2 =	sadd.s32 s3, s2  }
0x8d: {  	s2 =	sadd.s32 s2, s18  }
0x8e: {  	[smem:$0x3FC2] =	sst s2  }
0x8f: {  	_ = 	snop  }
0x90: {  	s2 =	sld [smem:$0x3FC9]  }
0x91: {  	s19 =	sld [smem:$0x3FC8]  }
0x92: {  	s4 =	sld [smem:$0x3FC7]  }
0x93: {  	s5 =	sld [smem:$0x3FC6]  }
0x94: {  	s6 =	sld [smem:$0x3FC5]  }
0x95: {  	s7 =	sld [smem:$0x3FC4]  }
0x96: {  	s8 =	sld [smem:$0x3FD0];
	(tm) =	ssettm $0x1  }
0x97: {  	s9 =	sld [smem:$0x3FFB];
	_ =	sdelay $0x3  }
0x98: {  	_ =	strace s9  }
0x99: {  	s9 =	sld [smem:$0x3FFC];
	_ =	sdelay $0x3  }
0x9a: {  	_ =	strace s9  }
0x9b: {  	s9 =	sld [smem:$0x3FFD];
	_ =	sdelay $0x3  }
0x9c: {  	_ =	strace s9  }
0x9d: {  	_ =	strace $0x8FFFFFFF  }
0x9e: {  	s20 =	sld [smem:$0x3FDB];
	_ =	sdelay $0x1  }
0x9f: {  	s10 =	simm.s32 $_scs_section_size  }
0xa0: {  	s11 =	simm.s32 $_size__tile_overlayer_lowered;
	s12 =	simm.s32 $_tile_overlayer_lowered  }
0xa1: {  	s23 =	simm.s32 $0x1BFF;
	s22 =	sshll.u32 s12, $0x1;
	s9 =	sadd.s32 s10, s20  }
0xa2: {  	s13 =	simm.s32 $0x0;
	s21 =	sshll.u32 s11, $0x1;
	s11 =	sadd.s32 s22, s9  }
0xa3: {  	[timem:s13], [sflag:s23] =	dma.local [hbm:s11], s21  }
0xa4: {  	_ =	swait.ge [sflag:s23], s21  }
0xa5: {  	s10 =	ssub.s32 $0x0, s21;
	[sflag:s23] =	ssyncset.done $0x0  }
0xa6: {  	[sflag:s23] =	ssyncadd.s32 s10;
	_ =	sdelay $0x1  }
0xa7: {  	s24 =	simm.s32 $0x1B8B  }
0xa8: {  	_ =	swait.ge [sflag:s24], $0x1  }
0xa9: {  	[sflag:s24] =	ssyncset.done $0x0  }
0xaa: {  	s25 =	simm.s32 $0x1B8E;
	[sflag:s24] =	ssyncadd.s32 $0xFFFFFFFF  }
0xab: {  	s26 =	simm.s32 $execute0_lowered;
	[smem:$0x3FD2] =	sst s25  }
0xac: {  	s10 =	sshll.u32 s26, $0x1;
	_ =	strace $0x80000046;
	[dreg:$0x1] =	wrdreg $0xFFFFFFFF  }
0xad: {  	s28 =	simm.s32 $_size_execute0_lowered;
	s9 =	sadd.s32 s9, s10;
	[dreg:$0x0] =	wrdreg $0x0  }
0xae: {  	s10 =	sshll.u32 s28, $0x1;
	[dreg:$0x2] =	wrdreg s9  }
0xaf: {  	[dreg:$0x3] =	wrdreg s10  }
0xb0: {  	[dreg:$0x4] =	wrdreg $0xC0  }
0xb1: {  	_ =	task [dreg:s13], $0x5FFFF  }
0xb2: {  	[dreg:$0x1] =	wrdreg $0xFFFFFFFF  }
0xb3: {  	[dreg:$0x0] =	wrdreg $0x60  }
0xb4: {  	[dreg:$0x2] =	wrdreg s2  }
0xb5: {  	[dreg:$0x3] =	wrdreg s19  }
0xb6: {  	[dreg:$0x4] =	wrdreg s4  }
0xb7: {  	[dreg:$0x5] =	wrdreg s5  }
0xb8: {  	[dreg:$0x6] =	wrdreg s6  }
0xb9: {  	[dreg:$0x7] =	wrdreg s7  }
0xba: {  	[dreg:$0x8] =	wrdreg s8  }
0xbb: {  	[dreg:$0x9] =	wrdreg $0x9  }
0xbc: {  	_ =	task.clear_ibuf [dreg:s13], $0xAFFFF;
	_ =	strace $0x90000046  }
0xbd: {  	s29 =	simm.s32 $0x9;
	_ =	strace $0x80000048  }
0xbe: {  	_ =	swait.ge [sflag:s29], $0x1  }
0xbf: {  	[sflag:s29] =	ssyncadd.s32 $0xFFFFFFFF  }
0xc0: {  	_ =	strace $0x90000048  }
0xc1: {  	_ =	sfence  }
0xc2: {  	s30 =	sld [smem:$0x0];
	_ =	sdelay $0x2  }
0xc3: {  	s31 =	sshll.u32 s1, $0xD;
	s1 =	sshrl.u32 s1, $0x2  }
0xc4: {  	s3 =	sand.u32 $0x4000, s31;
	s1 =	sadd.s32 s1, s30  }
0xc5: {  	s0 =	sor.u32 s3, s0;
	s1 =	sshll.u32 s1, $0x11  }
0xc6: {  	s0 =	sor.u32 s1, s0  }
0xc7: {  	s0 =	sadd.s32 $0x8F2B, s0  }
0xc8: {  	[sflag:s0] =	ssyncadd.remote.s32 $0x1  }
0xc9: {  	_ =	sfence.sel $0xFFFF  }
0xca: {  	[dreg:$0x0] =	wrdreg $0xFFFFFFFF;
	(pc) =	sbr.abs _section_cstart, $3  }
0xcb: {  	[dreg:$0x1] =	wrdreg $0xFFFFFFFF  }
0xcc: {  	_ =	task.clear_ibuf [dreg:s13], $0x2FFFF;
	_ =	strace $0x9FFFFFFF  }
0xcd: {  	(tm) =	ssettm $0x7FFFFFFF  }
tec
execute0_lowered:
.L_overlay_start_1:
0x0: {  	(tag) =	ssettag $0x1  }
0x1: {  	s0 =	rddreg [dreg:$0x0]  }
0x2: {  	s5 =	rddreg [dreg:$0x1]  }
0x3: {  	s1 =	rddreg [dreg:$0x2]  }
0x4: {  	s2 =	rddreg [dreg:$0x3]  }
0x5: {  	s3 =	rddreg [dreg:$0x4]  }
0x6: {  	s4 =	rddreg [dreg:$0x5]  }
0x7: {  	s6 =	rddreg [dreg:$0x6];
	v0 =	vimm.s32 $0xEFCDAB89;
	s12 =	simm.s32 $0x8500;
	s15 =	simm.s32 $0x2500  }
0x8: {  	v1 =	vimm.s32 $0x67452301;
	s16 =	simm.s32 $0xA500;
	s19 =	simm.s32 $0x4500;
	s20 =	simm.s32 $0xC500  }
0x9: {  	s7 =	srdreg.scid;
	s10 =	simm.s32 $0x0;
	s11 =	stileid.u32;
	v6 =	vimm.s32 $0x54761032;
	v7 =	vimm.s32 $0xBA98FEDC;
	v8 =	vimm.s32 $0x32107654  }
0xa: {  	v9 =	vimm.s32 $0xFEDCBA98;
	s28 =	simm.s32 $0x6500;
	s29 =	simm.s32 $0xE500;
	s14 =	simm.s32 $0x10880;
	v2 =	vunpack.c.l.s4.s8 v0;
	v3 =	vunpack.c.l.s4.s8 v1  }
0xb: {  	v10 =	vimm.s32 $0x76543210;
	s23 =	simm.s32 $0xA;
	s13 =	simm.s32 $0xB;
	s17 =	simm.s32 $0x8;
	v0 =	vlaneseq.u32;
	v6 =	vunpack.c.l.s4.s8 v6  }
0xc: {  	s18 =	simm.s32 $0xC;
	s7 =	sand.u32 $0x1, s7;
	[smem:$0x7FF] =	sst s10;
	v9 =	vunpack.c.l.s4.s8 v9;
	v4 =	vunpack.c.0.s8.s32 v2;
	v5 =	vunpack.c.0.s8.s32 v3  }
0xd: {  	s25 =	sshll.u32 s11, $0x7;
	v7 =	vunpack.c.l.s4.s8 v7;
	v8 =	vunpack.c.l.s4.s8 v8;
	v10 =	vunpack.c.l.s4.s8 v10;
	s8 =	ssub.s32 $0x2, s7;
	s7 =	sshll.u32 s7, $0x6  }
0xe: {  	s11 =	simm.s32 $0x500;
	_ =	strace $0x80000047;
	v1 =	vmul.u32 $0x80, v0;
	s7 =	sor.u32 s7, s25;
	v4 =	vcombine.low v5, v4;
	v5 =	vimm.s32 $0xDCFE98BA  }
.Ltmp0:
0xf: {  	s9 =	sshrl.u32 s8, $0x1;
	v2 =	vimm.f32 $0.0e+00;
	v6 =	vunpack.c.0.s8.s32 v6;
	s0 =	sadd.s32 s0, s7;
	v5 =	vunpack.c.l.s4.s8 v5;
	(pc) =	sbr.rel .LBB2_1-.Ltmp0, $4  }
0x10: {  	v9 =	vunpack.c.0.s8.s32 v9;
	v7 =	vunpack.c.0.s8.s32 v7;
	v8 =	vunpack.c.0.s8.s32 v8;
	s8 =	ssub.s32 s8, s9;
	s26 =	sadd.s32 s5, s7;
	[dreg:$0x8] =	wrdreg s0  }
0x11: {  	v10 =	vunpack.c.0.s8.s32 v10;
	s9 =	simm.s32 $0xD;
	v3 =	vor.u32 $0x800, v1;
	s30 =	sadd.s32 s6, s7;
	[dreg:$0x9] =	wrdreg s26;
	v5 =	vunpack.c.0.s8.s32 v5  }
0x12: {  	s7 =	simm.s32 $0x10680;
	[dreg:$0xa] =	wrdreg s30;
	s31 =	smax.u32 s8, $0x1;
	v9 =	vand.u32 $0xF, v9;
	v7 =	vcombine.low v8, v7;
	v8 =	vor.u32 $0x1800, v1  }
0x13: {  	s5 =	simm.s32 $0x0;
	s8 =	simm.s32 $0x9;
	[dreg:$0xb] =	wrdreg s31;
	v9 =	vcombine.low v9, v10;
	v5 =	vcombine.low v6, v5;
	v6 =	vor.u32 $0x1000, v1  }
.LBB2_4:
0x14: {  	s10 =	simm.s32 $0x0  }
0x15: {  	s0 =	rddreg [dreg:$0xa];
	s5 =	simm.s32 $0x10900;
	s9 =	simm.s32 $0xD  }
0x16: {  	[hbm4b:s0+s10] =	stream.linear.scatter [tilespmem:s5], [sflag:$0xD], $0x200, $0x38;
	[tilespmem:$0x10B00] =	vst v63  }
0x17: {  	_ =	swait.ge [sflag:s9], $0x200  }
0x18: {  	s30 =	rddreg [dreg:$0xc]  }
0x19: {  	s31 =	rddreg [dreg:$0xb];
	s5 =	sadd.s32 $0x1, s30  }
0x1a: {  	p0 =	sne.s32 s5, s31  }
.Ltmp1:
0x1b: {  	_ = 	snop;
	(pc) =	sbr.rel @!p0 .LBB2_5-.Ltmp1, $3  }
0x1c: {  	_ =	sdelay $0x1  }
0x1d: {  	[sflag:s9] =	ssyncset.done $0x0  }
0x1e: {  	[sflag:s9] =	ssyncadd.s32 $0xFFFFFE00  }
.LBB2_1:
0x1f: {  	[dreg:$0xc] =	wrdreg s5  }
0x20: {  	s0 =	rddreg [dreg:$0x8]  }
0x21: {  	[tilespmem:s10], [sflag:$0xD] =	stream.linear.gather [hbm4b:s0+s10], $0x200, $0x38;
	[tilespmem:$0x10B00] =	vst v63  }
0x22: {  	_ =	swait.ge [sflag:s9], $0x200  }
0x23: {  	[sflag:s9] =	ssyncset.done $0x0  }
0x24: {  	s6 =	simm.s32 $0x280;
	s21 =	rddreg [dreg:$0x9];
	[sflag:s9] =	ssyncadd.s32 $0xFFFFFE00  }
0x25: {  	[tilespmem:s6], [sflag:$0xD] =	stream.linear.gather [hbm4b:s21+s10], $0x200, $0x38;
	[tilespmem:$0x10B00] =	vst v63  }
0x26: {  	_ =	swait.ge [sflag:s9], $0x200  }
0x27: {  	[sflag:s9] =	ssyncset.done $0x0  }
0x28: {  	[sflag:s9] =	ssyncadd.s32 $0xFFFFFE00  }
0x29: {  	[tilespmem:$0x10900] =	vst v2  }
0x2a: {  	[tilespmem:$0x10910] =	vst v2  }
0x2b: {  	[tilespmem:$0x10920] =	vst v2  }
0x2c: {  	[tilespmem:$0x10930] =	vst v2  }
0x2d: {  	[tilespmem:$0x10940] =	vst v2  }
0x2e: {  	[tilespmem:$0x10950] =	vst v2  }
0x2f: {  	[tilespmem:$0x10960] =	vst v2  }
0x30: {  	[tilespmem:$0x10970] =	vst v2  }
0x31: {  	[tilespmem:$0x10980] =	vst v2  }
0x32: {  	[tilespmem:$0x10990] =	vst v2;
	v10 =	vld [tilespmem:$0x0]  }
0x33: {  	[tilespmem:$0x109A0] =	vst v2;
	v11 =	vld [tilespmem:$0x280]  }
0x34: {  	[tilespmem:$0x109B0] =	vst v2  }
0x35: {  	[tilespmem:$0x109C0] =	vst v2  }
0x36: {  	[tilespmem:$0x109D0] =	vst v2  }
0x37: {  	[tilespmem:$0x109E0] =	vst v2;
	(v2sf) =	vpush v10, $0x0  }
0x38: {  	[tilespmem:$0x109F0] =	vst v2;
	(v2sf) =	vpush v11, $0x0  }
0x39: {  	[tilespmem:$0x10A00] =	vst v2  }
0x3a: {  	[tilespmem:$0x10A10] =	vst v2  }
0x3b: {  	[tilespmem:$0x10A20] =	vst v2  }
0x3c: {  	[tilespmem:$0x10A30] =	vst v2  }
0x3d: {  	[tilespmem:$0x10A40] =	vst v2  }
0x3e: {  	[tilespmem:$0x10A50] =	vst v2  }
0x3f: {  	[tilespmem:$0x10A60] =	vst v2  }
0x40: {  	[tilespmem:$0x10A70] =	vst v2  }
0x41: {  	[tilespmem:$0x10A80] =	vst v2  }
0x42: {  	[tilespmem:$0x10A90] =	vst v2  }
0x43: {  	[tilespmem:$0x10AA0] =	vst v2  }
0x44: {  	[tilespmem:$0x10AB0] =	vst v2  }
0x45: {  	[tilespmem:$0x10AC0] =	vst v2  }
0x46: {  	s6 =	simm.s32 $0x400;
	[tilespmem:$0x10AD0] =	vst v2;
	s22 =	spop (v2sf)  }
0x47: {  	s21 =	simm.s32 $0x7A1400;
	[tilespmem:$0x10AE0] =	vst v2;
	s24 =	sand.u32 $0x1FFFFF80, s22;
	s25 =	spop (v2sf)  }
0x48: {  	[tilespmem:$0x10AF0] =	vst v2;
	s0 =	sshrl.u32 s22, $0x3;
	s5 =	sadd.s32 s1, s24;
	s26 =	sand.u32 $0x1FFFFF80, s25  }
0x49: {  	[tilespmem:s11], [sflag:$0x1] =	stream.strided.gather [hbm4b:s5+s6], $0x2000, s21, s6, $0x38;
	[tilespmem:$0x10B00] =	vst v63  }
0x4a: {  	s0 =	sand.u32 $0x1FFFFFF0, s0;
	s5 =	sadd.s32 s2, s26  }
0x4b: {  	[tilespmem:s12], [sflag:$0x5] =	stream.strided.gather [hbm4b:s5+s6], $0x2000, s21, s6, $0x38;
	[tilespmem:$0x10B00] =	vst v63  }
0x4c: {  	s31 =	simm.s32 $0x10500;
	s0 =	sadd.s32 s3, s0;
	s5 =	sshrl.u32 s25, $0x3  }
0x4d: {  	[tilespmem:s31], [sflag:$0x9] =	stream.linear.gather [hbm4b:s0+s10], $0x80, $0x38;
	[tilespmem:$0x10B00] =	vst v63  }
0x4e: {  	s0 =	sand.u32 $0x1FFFFFF0, s5  }
0x4f: {  	s9 =	simm.s32 $0x10700;
	s0 =	sadd.s32 s4, s0  }
0x50: {  	[tilespmem:s9], [sflag:$0x9] =	stream.linear.gather [hbm4b:s0+s10], $0x80, $0x38;
	[tilespmem:$0x10B00] =	vst v63  }
0x51: {  	v10 =	vld [tilespmem:$0x1]  }
0x52: {  	v11 =	vld [tilespmem:$0x281];
	_ =	sdelay $0x3  }
0x53: {  	(v2sf) =	vpush v10, $0x0  }
0x54: {  	(v2sf) =	vpush v11, $0x0;
	_ =	sdelay $0xd  }
0x55: {  	s22 =	spop (v2sf)  }
0x56: {  	s24 =	sand.u32 $0x1FFFFF80, s22;
	s25 =	spop (v2sf)  }
0x57: {  	s0 =	sshrl.u32 s22, $0x3;
	s5 =	sadd.s32 s1, s24;
	s26 =	sand.u32 $0x1FFFFF80, s25  }
0x58: {  	[tilespmem:s15], [sflag:$0x2] =	stream.strided.gather [hbm4b:s5+s6], $0x2000, s21, s6, $0x38;
	[tilespmem:$0x10B00] =	vst v63  }
0x59: {  	s0 =	sand.u32 $0x1FFFFFF0, s0;
	s5 =	sadd.s32 s2, s26  }
0x5a: {  	[tilespmem:s16], [sflag:$0x6] =	stream.strided.gather [hbm4b:s5+s6], $0x2000, s21, s6, $0x38;
	[tilespmem:$0x10B00] =	vst v63  }
0x5b: {  	s31 =	simm.s32 $0x10580;
	s0 =	sadd.s32 s3, s0;
	s5 =	sshrl.u32 s25, $0x3  }
0x5c: {  	[tilespmem:s31], [sflag:$0xA] =	stream.linear.gather [hbm4b:s0+s10], $0x80, $0x38;
	[tilespmem:$0x10B00] =	vst v63  }
0x5d: {  	s0 =	sand.u32 $0x1FFFFFF0, s5  }
0x5e: {  	s9 =	simm.s32 $0x10780;
	s0 =	sadd.s32 s4, s0  }
0x5f: {  	[tilespmem:s9], [sflag:$0xA] =	stream.linear.gather [hbm4b:s0+s10], $0x80, $0x38;
	[tilespmem:$0x10B00] =	vst v63  }
0x60: {  	v10 =	vld [tilespmem:$0x2]  }
0x61: {  	v11 =	vld [tilespmem:$0x282];
	_ =	sdelay $0x3  }
0x62: {  	(v2sf) =	vpush v10, $0x0  }
0x63: {  	(v2sf) =	vpush v11, $0x0;
	_ =	sdelay $0xd  }
0x64: {  	s22 =	spop (v2sf)  }
0x65: {  	s24 =	sand.u32 $0x1FFFFF80, s22;
	s25 =	spop (v2sf)  }
0x66: {  	s0 =	sshrl.u32 s22, $0x3;
	s5 =	sadd.s32 s1, s24;
	s26 =	sand.u32 $0x1FFFFF80, s25  }
0x67: {  	[tilespmem:s19], [sflag:$0x3] =	stream.strided.gather [hbm4b:s5+s6], $0x2000, s21, s6, $0x38;
	[tilespmem:$0x10B00] =	vst v63  }
0x68: {  	s0 =	sand.u32 $0x1FFFFFF0, s0;
	s5 =	sadd.s32 s2, s26  }
0x69: {  	[tilespmem:s20], [sflag:$0x7] =	stream.strided.gather [hbm4b:s5+s6], $0x2000, s21, s6, $0x38;
	[tilespmem:$0x10B00] =	vst v63  }
0x6a: {  	s31 =	simm.s32 $0x10600;
	s0 =	sadd.s32 s3, s0;
	s5 =	sshrl.u32 s25, $0x3  }
0x6b: {  	[tilespmem:s31], [sflag:$0xB] =	stream.linear.gather [hbm4b:s0+s10], $0x80, $0x38;
	[tilespmem:$0x10B00] =	vst v63  }
0x6c: {  	s0 =	sand.u32 $0x1FFFFFF0, s5  }
0x6d: {  	s9 =	simm.s32 $0x10800;
	s0 =	sadd.s32 s4, s0  }
0x6e: {  	[tilespmem:s9], [sflag:$0xB] =	stream.linear.gather [hbm4b:s0+s10], $0x80, $0x38;
	[tilespmem:$0x10B00] =	vst v63  }
0x6f: {  	v10 =	vld [tilespmem:$0x3]  }
0x70: {  	v11 =	vld [tilespmem:$0x283];
	_ =	sdelay $0x3  }
0x71: {  	(v2sf) =	vpush v10, $0x0  }
0x72: {  	(v2sf) =	vpush v11, $0x0;
	_ =	sdelay $0xd  }
0x73: {  	s22 =	spop (v2sf)  }
0x74: {  	s24 =	sand.u32 $0x1FFFFF80, s22;
	s25 =	spop (v2sf)  }
0x75: {  	s0 =	sshrl.u32 s22, $0x3;
	s5 =	sadd.s32 s1, s24;
	s26 =	sand.u32 $0x1FFFFF80, s25  }
0x76: {  	[tilespmem:s28], [sflag:$0x4] =	stream.strided.gather [hbm4b:s5+s6], $0x2000, s21, s6, $0x38;
	[tilespmem:$0x10B00] =	vst v63  }
0x77: {  	s0 =	sand.u32 $0x1FFFFFF0, s0;
	s5 =	sadd.s32 s2, s26  }
0x78: {  	[tilespmem:s29], [sflag:$0x8] =	stream.strided.gather [hbm4b:s5+s6], $0x2000, s21, s6, $0x38;
	[tilespmem:$0x10B00] =	vst v63  }
0x79: {  	s31 =	sshrl.u32 s25, $0x3;
	s0 =	sadd.s32 s3, s0  }
0x7a: {  	[tilespmem:s7], [sflag:$0xC] =	stream.linear.gather [hbm4b:s0+s10], $0x80, $0x38;
	[tilespmem:$0x10B00] =	vst v63  }
0x7b: {  	s0 =	sand.u32 $0x1FFFFFF0, s31  }
0x7c: {  	s30 =	simm.s32 $0x2;
	s25 =	simm.s32 $0x284;
	s0 =	sadd.s32 s4, s0  }
0x7d: {  	[tilespmem:s14], [sflag:$0xC] =	stream.linear.gather [hbm4b:s0+s10], $0x80, $0x38;
	[tilespmem:$0x10B00] =	vst v63  }
0x7e: {  	s26 =	simm.s32 $0x4;
	s7 =	simm.s32 $0x10680;
	s14 =	simm.s32 $0x10880  }
.LBB2_2:
0x7f: {  	s0 =	simm.s32 $0x1  }
0x80: {  	_ =	swait.ge [sflag:s0], $0x2000  }
0x81: {  	[sflag:s0] =	ssyncset.done $0x0  }
0x82: {  	s5 =	simm.s32 $0x5;
	[sflag:s0] =	ssyncadd.s32 $0xFFFFE000  }
0x83: {  	_ =	swait.ge [sflag:s5], $0x2000  }
0x84: {  	[sflag:s5] =	ssyncset.done $0x0  }
0x85: {  	[sflag:s5] =	ssyncadd.s32 $0xFFFFE000  }
0x86: {  	_ =	swait.ge [sflag:s8], $0x80  }
0x87: {  	[sflag:s8] =	ssyncset.done $0x0  }
0x88: {  	[sflag:s8] =	ssyncadd.s32 $0xFFFFFF80  }
0x89: {  	_ =	swait.ge [sflag:s8], $0x80  }
0x8a: {  	[sflag:s8] =	ssyncset.done $0x0  }
0x8b: {  	[sflag:s8] =	ssyncadd.s32 $0xFFFFFF80  }
0x8c: {  	v10 =	vld [tilespmem:s26+$0xFFFFFFFC]  }
0x8d: {  	v11 =	vld [tilespmem:s25+$0xFFFFFFFC];
	_ =	sdelay $0x3  }
0x8e: {  	(v2sf) =	vpush v10, $0x0  }
0x8f: {  	(v2sf) =	vpush v11, $0x0;
	_ =	sdelay $0xd  }
0x90: {  	s6 =	spop (v2sf)  }
0x91: {  	s5 =	spop (v2sf);
	s0 =	sand.u32 $0x7F, s6  }
0x92: {  	s5 =	sand.u32 $0x7F, s5;
	v10 =	vor.u32 s0, v1  }
0x93: {  	v11 =	vor.u32 s5, v1  }
0x94: {  	v12 =	vor.u32 s0, v3  }
0x95: {  	v13 =	vor.u32 s5, v3  }
0x96: {  	v14 =	vor.u32 s0, v6  }
0x97: {  	v15 =	vor.u32 s5, v6;
	v10 =	vld.idx.msk [tilespmem:v10+s11+$0x0], $0xffff  }
0x98: {  	v17 =	vor.u32 s5, v8;
	v11 =	vld.idx.msk [tilespmem:v11+s12+$0x0], $0xffff  }
0x99: {  	v16 =	vor.u32 s0, v8;
	v12 =	vld.idx.msk [tilespmem:v12+s11+$0x0], $0xffff  }
0x9a: {  	v13 =	vld.idx.msk [tilespmem:v13+s12+$0x0], $0xffff  }
0x9b: {  	v14 =	vld.idx.msk [tilespmem:v14+s11+$0x0], $0xffff  }
0x9c: {  	v15 =	vld.idx.msk [tilespmem:v15+s12+$0x0], $0xffff  }
0x9d: {  	v26 =	vld.idx.msk [tilespmem:v17+s12+$0x0], $0xffff;
	v10 =	vmul.f32 v11, v10  }
0x9e: {  	v11 =	vld.idx.msk [tilespmem:v16+s11+$0x0], $0xffff  }
0x9f: {  	v12 =	vmul.f32 v13, v12;
	v10 =	vadd.f32 $0.0e+00, v10;
	_ =	sdelay $0x1  }
0xa0: {  	v27 =	vmul.f32 v15, v14;
	v10 =	vadd.f32 v12, v10;
	_ =	sdelay $0x1  }
0xa1: {  	v11 =	vmul.f32 v26, v11;
	v10 =	vadd.f32 v27, v10;
	_ =	sdelay $0x1  }
0xa2: {  	v10 =	vadd.f32 v11, v10;
	_ =	sdelay $0x1  }
0xa3: {  	v11 =	vperm.xlane v10, v4;
	_ =	sdelay $0x1  }
0xa4: {  	v10 =	vadd.f32 v10, v11;
	_ =	sdelay $0x1  }
0xa5: {  	v11 =	vperm.xlane v10, v5;
	_ =	sdelay $0x1  }
0xa6: {  	v28 =	vmov s0;
	v10 =	vadd.f32 v10, v11;
	_ =	sdelay $0x1  }
0xa7: {  	v11 =	vmov s5;
	v29 =	vperm.xlane v10, v7;
	_ =	sdelay $0x1  }
0xa8: {  	s9 =	simm.s32 $0x10500;
	v10 =	vadd.f32 v10, v29  }
0xa9: {  	v12 =	vld.idx.msk [tilespmem:v28+s9+$0x0], $0xffff  }
0xaa: {  	s10 =	simm.s32 $0x10700;
	v13 =	vperm.xlane v10, v9  }
0xab: {  	v11 =	vld.idx.msk [tilespmem:v11+s10+$0x0], $0xffff  }
0xac: {  	v10 =	vadd.f32 v10, v13;
	_ =	sdelay $0x1  }
0xad: {  	s21 =	sadd.s32 $0xFFFFFFFE, s30;
	v10 =	vadd.f32 v10, v12  }
0xae: {  	s31 =	sand.u32 $0x1F0, s21  }
0xaf: {  	v10 =	vadd.f32 v10, v11;
	v11 =	vld [tilespmem:s31+$0x10900]  }
0xb0: {  	s9 =	sand.u32 $0xC, s21  }
0xb1: {  	v30 =	vmov s9;
	v10 =	vadd.f32 $7.000000000e+00, v10  }
0xb2: {  	vm0 =	veq.s32 v30, v0  }
0xb3: {  	v10 =	vnsel vm0, $0x0, v10  }
0xb4: {  	v10 =	vadd.f32 v10, v11;
	_ =	sdelay $0x1  }
0xb5: {  	p0 =	seq.s32 s30, $0x1FE;
	[tilespmem:s31+$0x10900] =	vst v10  }
0xb6: {  	v10 =	vld @!p0 [tilespmem:s26+$0x0]  }
0xb7: {  	v11 =	vld @!p0 [tilespmem:s25+$0x0];
	_ =	sdelay $0x3  }
0xb8: {  	(v2sf) =	vpush @!p0 v10, $0x0  }
0xb9: {  	(v2sf) =	vpush @!p0 v11, $0x0;
	_ =	sdelay $0xd  }
0xba: {  	s22 =	simm.s32 @!p0 $0x500;
	s0 =	spop @!p0 (v2sf)  }
0xbb: {  	s10 =	simm.s32 @!p0 $0x400;
	s5 =	sand.u32 @!p0 $0x1FFFFF80, s0;
	s6 =	spop @!p0 (v2sf)  }
0xbc: {  	s0 =	sshrl.u32 @!p0 s0, $0x3;
	s21 =	sadd.s32 @!p0 s1, s5;
	s5 =	simm.s32 @!p0 $0x7A1400  }
0xbd: {  	[tilespmem:s22], [sflag:$0x1] =	stream.strided.gather @!p0 [hbm4b:s21+s10], $0x2000, s5, s10, $0x38;
	[tilespmem:$0x10B00] =	vst v63  }
0xbe: {  	s0 =	sand.u32 @!p0 $0x1FFFFFF0, s0;
	s21 =	sand.u32 @!p0 $0x1FFFFF80, s6;
	s6 =	sshrl.u32 @!p0 s6, $0x3  }
0xbf: {  	s22 =	simm.s32 @!p0 $0x8500;
	s21 =	sadd.s32 @!p0 s2, s21;
	s6 =	sand.u32 @!p0 $0x1FFFFFF0, s6  }
0xc0: {  	[tilespmem:s22], [sflag:$0x5] =	stream.strided.gather @!p0 [hbm4b:s21+s10], $0x2000, s5, s10, $0x38;
	[tilespmem:$0x10B00] =	vst v63  }
0xc1: {  	s21 =	sadd.s32 @!p0 s3, s0;
	s0 =	simm.s32 @!p0 $0x0;
	s22 =	simm.s32 @!p0 $0x10500  }
0xc2: {  	[tilespmem:s22], [sflag:$0x9] =	stream.linear.gather @!p0 [hbm4b:s21+s0], $0x80, $0x38;
	[tilespmem:$0x10B00] =	vst v63  }
0xc3: {  	s6 =	sadd.s32 @!p0 s4, s6;
	s21 =	simm.s32 @!p0 $0x10700;
	s22 =	simm.s32 $0x2  }
0xc4: {  	[tilespmem:s21], [sflag:$0x9] =	stream.linear.gather @!p0 [hbm4b:s6+s0], $0x80, $0x38;
	[tilespmem:$0x10B00] =	vst v63  }
0xc5: {  	_ =	swait.ge [sflag:s22], $0x2000  }
0xc6: {  	[sflag:s22] =	ssyncset.done $0x0  }
0xc7: {  	s24 =	simm.s32 $0x6;
	[sflag:s22] =	ssyncadd.s32 $0xFFFFE000  }
0xc8: {  	_ =	swait.ge [sflag:s24], $0x2000  }
0xc9: {  	[sflag:s24] =	ssyncset.done $0x0  }
0xca: {  	[sflag:s24] =	ssyncadd.s32 $0xFFFFE000  }
0xcb: {  	_ =	swait.ge [sflag:s23], $0x80  }
0xcc: {  	[sflag:s23] =	ssyncset.done $0x0  }
0xcd: {  	[sflag:s23] =	ssyncadd.s32 $0xFFFFFF80  }
0xce: {  	_ =	swait.ge [sflag:s23], $0x80  }
0xcf: {  	[sflag:s23] =	ssyncset.done $0x0  }
0xd0: {  	[sflag:s23] =	ssyncadd.s32 $0xFFFFFF80  }
0xd1: {  	v10 =	vld [tilespmem:s26+$0xFFFFFFFD]  }
0xd2: {  	v11 =	vld [tilespmem:s25+$0xFFFFFFFD];
	_ =	sdelay $0x3  }
0xd3: {  	(v2sf) =	vpush v10, $0x0  }
0xd4: {  	(v2sf) =	vpush v11, $0x0;
	_ =	sdelay $0xd  }
0xd5: {  	s21 =	spop (v2sf)  }
0xd6: {  	s22 =	spop (v2sf);
	s6 =	sand.u32 $0x7F, s21  }
0xd7: {  	s21 =	sand.u32 $0x7F, s22;
	v10 =	vor.u32 s6, v1  }
0xd8: {  	v11 =	vor.u32 s21, v1  }
0xd9: {  	v31 =	vor.u32 s6, v3  }
0xda: {  	v32 =	vor.u32 s21, v3  }
0xdb: {  	v33 =	vor.u32 s6, v6  }
0xdc: {  	v34 =	vor.u32 s21, v6;
	v10 =	vld.idx.msk [tilespmem:v10+s15+$0x0], $0xffff  }
0xdd: {  	v36 =	vor.u32 s21, v8;
	v11 =	vld.idx.msk [tilespmem:v11+s16+$0x0], $0xffff  }
0xde: {  	v35 =	vor.u32 s6, v8;
	v12 =	vld.idx.msk [tilespmem:v31+s15+$0x0], $0xffff  }
0xdf: {  	v13 =	vld.idx.msk [tilespmem:v32+s16+$0x0], $0xffff  }
0xe0: {  	v14 =	vld.idx.msk [tilespmem:v33+s15+$0x0], $0xffff  }
0xe1: {  	v15 =	vld.idx.msk [tilespmem:v34+s16+$0x0], $0xffff  }
0xe2: {  	v37 =	vld.idx.msk [tilespmem:v36+s16+$0x0], $0xffff;
	v10 =	vmul.f32 v11, v10  }
0xe3: {  	v11 =	vld.idx.msk [tilespmem:v35+s15+$0x0], $0xffff  }
0xe4: {  	v12 =	vmul.f32 v13, v12;
	v10 =	vadd.f32 $0.0e+00, v10;
	_ =	sdelay $0x1  }
0xe5: {  	v38 =	vmul.f32 v15, v14;
	v10 =	vadd.f32 v12, v10;
	_ =	sdelay $0x1  }
0xe6: {  	v11 =	vmul.f32 v37, v11;
	v10 =	vadd.f32 v38, v10;
	_ =	sdelay $0x1  }
0xe7: {  	v10 =	vadd.f32 v11, v10;
	_ =	sdelay $0x1  }
0xe8: {  	v11 =	vperm.xlane v10, v4;
	_ =	sdelay $0x1  }
0xe9: {  	v10 =	vadd.f32 v10, v11;
	_ =	sdelay $0x1  }
0xea: {  	v11 =	vperm.xlane v10, v5;
	_ =	sdelay $0x1  }
0xeb: {  	v39 =	vmov s6;
	v10 =	vadd.f32 v10, v11;
	_ =	sdelay $0x1  }
0xec: {  	v11 =	vmov s21;
	v40 =	vperm.xlane v10, v7;
	_ =	sdelay $0x1  }
0xed: {  	s24 =	simm.s32 $0x10580;
	v10 =	vadd.f32 v10, v40  }
0xee: {  	v12 =	vld.idx.msk [tilespmem:v39+s24+$0x0], $0xffff  }
0xef: {  	s21 =	simm.s32 $0x10780;
	v13 =	vperm.xlane v10, v9  }
0xf0: {  	v11 =	vld.idx.msk [tilespmem:v11+s21+$0x0], $0xffff  }
0xf1: {  	v10 =	vadd.f32 v10, v13;
	_ =	sdelay $0x1  }
0xf2: {  	v10 =	vadd.f32 v10, v12;
	_ =	sdelay $0x1  }
0xf3: {  	s22 =	sadd.s32 $0xFFFFFFFF, s30;
	v10 =	vadd.f32 v10, v11;
	v11 =	vld [tilespmem:s31+$0x10900]  }
0xf4: {  	s6 =	sand.u32 $0xD, s22  }
0xf5: {  	v41 =	vmov s6;
	v10 =	vadd.f32 $7.000000000e+00, v10  }
0xf6: {  	vm13 =	veq.s32 v41, v0  }
0xf7: {  	v10 =	vnsel vm13, $0x0, v10  }
0xf8: {  	v10 =	vadd.f32 v10, v11;
	_ =	sdelay $0x1  }
0xf9: {  	[tilespmem:s31+$0x10900] =	vst v10  }
0xfa: {  	v10 =	vld @!p0 [tilespmem:s26+$0x1];
	_ =	sdelay $0x1  }
0xfb: {  	v11 =	vld @!p0 [tilespmem:s25+$0x1];
	_ =	sdelay $0x2  }
0xfc: {  	(v2sf) =	vpush @!p0 v10, $0x0;
	_ =	sdelay $0x1  }
0xfd: {  	(v2sf) =	vpush @!p0 v11, $0x0;
	_ =	sdelay $0xc  }
0xfe: {  	s6 =	spop @!p0 (v2sf)  }
0xff: {  	s21 =	sand.u32 @!p0 $0x1FFFFF80, s6  }
0x100: {  	s24 =	simm.s32 @!p0 $0x2500;
	s22 =	spop @!p0 (v2sf);
	s21 =	sadd.s32 @!p0 s1, s21  }
0x101: {  	[tilespmem:s24], [sflag:$0x2] =	stream.strided.gather @!p0 [hbm4b:s21+s10], $0x2000, s5, s10, $0x38;
	[tilespmem:$0x10B00] =	vst v63  }
0x102: {  	s6 =	sshrl.u32 @!p0 s6, $0x3;
	s21 =	sand.u32 @!p0 $0x1FFFFF80, s22  }
0x103: {  	s6 =	sand.u32 @!p0 $0x1FFFFFF0, s6;
	s24 =	simm.s32 @!p0 $0xA500;
	s21 =	sadd.s32 @!p0 s2, s21  }
0x104: {  	[tilespmem:s24], [sflag:$0x6] =	stream.strided.gather @!p0 [hbm4b:s21+s10], $0x2000, s5, s10, $0x38;
	[tilespmem:$0x10B00] =	vst v63  }
0x105: {  	s6 =	sadd.s32 @!p0 s3, s6;
	s21 =	simm.s32 @!p0 $0x10580  }
0x106: {  	[tilespmem:s21], [sflag:$0xA] =	stream.linear.gather @!p0 [hbm4b:s6+s0], $0x80, $0x38;
	[tilespmem:$0x10B00] =	vst v63  }
0x107: {  	s6 =	sshrl.u32 @!p0 s22, $0x3  }
0x108: {  	s6 =	sand.u32 @!p0 $0x1FFFFFF0, s6  }
0x109: {  	s24 =	simm.s32 $0x3;
	s21 =	simm.s32 @!p0 $0x10780;
	s6 =	sadd.s32 @!p0 s4, s6  }
0x10a: {  	[tilespmem:s21], [sflag:$0xA] =	stream.linear.gather @!p0 [hbm4b:s6+s0], $0x80, $0x38;
	[tilespmem:$0x10B00] =	vst v63  }
0x10b: {  	_ =	swait.ge [sflag:s24], $0x2000  }
0x10c: {  	[sflag:s24] =	ssyncset.done $0x0  }
0x10d: {  	s21 =	simm.s32 $0x7;
	[sflag:s24] =	ssyncadd.s32 $0xFFFFE000  }
0x10e: {  	_ =	swait.ge [sflag:s21], $0x2000  }
0x10f: {  	[sflag:s21] =	ssyncset.done $0x0  }
0x110: {  	[sflag:s21] =	ssyncadd.s32 $0xFFFFE000  }
0x111: {  	_ =	swait.ge [sflag:s13], $0x80  }
0x112: {  	[sflag:s13] =	ssyncset.done $0x0  }
0x113: {  	[sflag:s13] =	ssyncadd.s32 $0xFFFFFF80  }
0x114: {  	_ =	swait.ge [sflag:s13], $0x80  }
0x115: {  	[sflag:s13] =	ssyncset.done $0x0  }
0x116: {  	[sflag:s13] =	ssyncadd.s32 $0xFFFFFF80  }
0x117: {  	v10 =	vld [tilespmem:s26+$0xFFFFFFFE]  }
0x118: {  	v11 =	vld [tilespmem:s25+$0xFFFFFFFE];
	_ =	sdelay $0x3  }
0x119: {  	(v2sf) =	vpush v10, $0x0  }
0x11a: {  	(v2sf) =	vpush v11, $0x0;
	_ =	sdelay $0xd  }
0x11b: {  	s22 =	spop (v2sf)  }
0x11c: {  	s24 =	spop (v2sf);
	s6 =	sand.u32 $0x7F, s22  }
0x11d: {  	s21 =	sand.u32 $0x7F, s24;
	v10 =	vor.u32 s6, v1  }
0x11e: {  	v11 =	vor.u32 s21, v1  }
0x11f: {  	v42 =	vor.u32 s6, v3  }
0x120: {  	v43 =	vor.u32 s21, v3  }
0x121: {  	v44 =	vor.u32 s6, v6  }
0x122: {  	v45 =	vor.u32 s21, v6;
	v10 =	vld.idx.msk [tilespmem:v10+s19+$0x0], $0xffff  }
0x123: {  	v47 =	vor.u32 s21, v8;
	v11 =	vld.idx.msk [tilespmem:v11+s20+$0x0], $0xffff  }
0x124: {  	v46 =	vor.u32 s6, v8;
	v12 =	vld.idx.msk [tilespmem:v42+s19+$0x0], $0xffff  }
0x125: {  	v13 =	vld.idx.msk [tilespmem:v43+s20+$0x0], $0xffff  }
0x126: {  	v14 =	vld.idx.msk [tilespmem:v44+s19+$0x0], $0xffff  }
0x127: {  	v15 =	vld.idx.msk [tilespmem:v45+s20+$0x0], $0xffff  }
0x128: {  	v48 =	vld.idx.msk [tilespmem:v47+s20+$0x0], $0xffff;
	v10 =	vmul.f32 v11, v10  }
0x129: {  	v11 =	vld.idx.msk [tilespmem:v46+s19+$0x0], $0xffff  }
0x12a: {  	v12 =	vmul.f32 v13, v12;
	v10 =	vadd.f32 $0.0e+00, v10;
	_ =	sdelay $0x1  }
0x12b: {  	v49 =	vmul.f32 v15, v14;
	v10 =	vadd.f32 v12, v10;
	_ =	sdelay $0x1  }
0x12c: {  	v11 =	vmul.f32 v48, v11;
	v10 =	vadd.f32 v49, v10;
	_ =	sdelay $0x1  }
0x12d: {  	v10 =	vadd.f32 v11, v10;
	_ =	sdelay $0x1  }
0x12e: {  	v11 =	vperm.xlane v10, v4;
	_ =	sdelay $0x1  }
0x12f: {  	v10 =	vadd.f32 v10, v11;
	_ =	sdelay $0x1  }
0x130: {  	v11 =	vperm.xlane v10, v5;
	_ =	sdelay $0x1  }
0x131: {  	v50 =	vmov s6;
	v10 =	vadd.f32 v10, v11;
	_ =	sdelay $0x1  }
0x132: {  	v11 =	vmov s21;
	v51 =	vperm.xlane v10, v7;
	_ =	sdelay $0x1  }
0x133: {  	s21 =	simm.s32 $0x10600;
	v10 =	vadd.f32 v10, v51  }
0x134: {  	v12 =	vld.idx.msk [tilespmem:v50+s21+$0x0], $0xffff  }
0x135: {  	s22 =	simm.s32 $0x10800;
	v13 =	vperm.xlane v10, v9  }
0x136: {  	v11 =	vld.idx.msk [tilespmem:v11+s22+$0x0], $0xffff  }
0x137: {  	v10 =	vadd.f32 v10, v13;
	_ =	sdelay $0x1  }
0x138: {  	v10 =	vadd.f32 v10, v12;
	_ =	sdelay $0x1  }
0x139: {  	v10 =	vadd.f32 v10, v11;
	v11 =	vld [tilespmem:s31+$0x10900]  }
0x13a: {  	s24 =	sand.u32 $0xE, s30  }
0x13b: {  	v52 =	vmov s24;
	v10 =	vadd.f32 $7.000000000e+00, v10  }
0x13c: {  	vm14 =	veq.s32 v52, v0  }
0x13d: {  	v10 =	vnsel vm14, $0x0, v10  }
0x13e: {  	v10 =	vadd.f32 v10, v11;
	_ =	sdelay $0x1  }
0x13f: {  	[tilespmem:s31+$0x10900] =	vst v10  }
0x140: {  	v10 =	vld @!p0 [tilespmem:s26+$0x2];
	_ =	sdelay $0x1  }
0x141: {  	v11 =	vld @!p0 [tilespmem:s25+$0x2];
	_ =	sdelay $0x2  }
0x142: {  	(v2sf) =	vpush @!p0 v10, $0x0;
	_ =	sdelay $0x1  }
0x143: {  	(v2sf) =	vpush @!p0 v11, $0x0;
	_ =	sdelay $0xc  }
0x144: {  	s6 =	spop @!p0 (v2sf)  }
0x145: {  	s21 =	sand.u32 @!p0 $0x1FFFFF80, s6  }
0x146: {  	s24 =	simm.s32 @!p0 $0x4500;
	s22 =	spop @!p0 (v2sf);
	s21 =	sadd.s32 @!p0 s1, s21  }
0x147: {  	[tilespmem:s24], [sflag:$0x3] =	stream.strided.gather @!p0 [hbm4b:s21+s10], $0x2000, s5, s10, $0x38;
	[tilespmem:$0x10B00] =	vst v63  }
0x148: {  	s21 =	sand.u32 @!p0 $0x1FFFFF80, s22  }
0x149: {  	s24 =	simm.s32 @!p0 $0xC500;
	s21 =	sadd.s32 @!p0 s2, s21  }
0x14a: {  	[tilespmem:s24], [sflag:$0x7] =	stream.strided.gather @!p0 [hbm4b:s21+s10], $0x2000, s5, s10, $0x38;
	[tilespmem:$0x10B00] =	vst v63  }
0x14b: {  	s5 =	sshrl.u32 @!p0 s6, $0x3  }
0x14c: {  	s5 =	sand.u32 @!p0 $0x1FFFFFF0, s5  }
0x14d: {  	s6 =	simm.s32 @!p0 $0x10600;
	s5 =	sadd.s32 @!p0 s3, s5  }
0x14e: {  	[tilespmem:s6], [sflag:$0xB] =	stream.linear.gather @!p0 [hbm4b:s5+s0], $0x80, $0x38;
	[tilespmem:$0x10B00] =	vst v63  }
0x14f: {  	s5 =	sshrl.u32 @!p0 s22, $0x3  }
0x150: {  	s5 =	sand.u32 @!p0 $0x1FFFFFF0, s5  }
0x151: {  	s10 =	simm.s32 $0x4;
	s6 =	simm.s32 @!p0 $0x10800;
	s5 =	sadd.s32 @!p0 s4, s5  }
0x152: {  	[tilespmem:s6], [sflag:$0xB] =	stream.linear.gather @!p0 [hbm4b:s5+s0], $0x80, $0x38;
	[tilespmem:$0x10B00] =	vst v63  }
0x153: {  	_ =	swait.ge [sflag:s10], $0x2000  }
0x154: {  	[sflag:s10] =	ssyncset.done $0x0  }
0x155: {  	[sflag:s10] =	ssyncadd.s32 $0xFFFFE000  }
0x156: {  	_ =	swait.ge [sflag:s17], $0x2000  }
0x157: {  	[sflag:s17] =	ssyncset.done $0x0  }
0x158: {  	[sflag:s17] =	ssyncadd.s32 $0xFFFFE000  }
0x159: {  	_ =	swait.ge [sflag:s18], $0x80  }
0x15a: {  	[sflag:s18] =	ssyncset.done $0x0  }
0x15b: {  	[sflag:s18] =	ssyncadd.s32 $0xFFFFFF80  }
0x15c: {  	_ =	swait.ge [sflag:s18], $0x80  }
0x15d: {  	[sflag:s18] =	ssyncset.done $0x0  }
0x15e: {  	[sflag:s18] =	ssyncadd.s32 $0xFFFFFF80  }
0x15f: {  	v10 =	vld [tilespmem:s26+$0xFFFFFFFF]  }
0x160: {  	v11 =	vld [tilespmem:s25+$0xFFFFFFFF];
	_ =	sdelay $0x3  }
0x161: {  	(v2sf) =	vpush v10, $0x0  }
0x162: {  	(v2sf) =	vpush v11, $0x0;
	_ =	sdelay $0xd  }
0x163: {  	s21 =	spop (v2sf)  }
0x164: {  	s22 =	spop (v2sf);
	s0 =	sand.u32 $0x7F, s21  }
0x165: {  	s5 =	sand.u32 $0x7F, s22;
	v10 =	vor.u32 s0, v1  }
0x166: {  	v11 =	vor.u32 s5, v1  }
0x167: {  	v53 =	vor.u32 s0, v3  }
0x168: {  	v54 =	vor.u32 s5, v3  }
0x169: {  	v55 =	vor.u32 s0, v6  }
0x16a: {  	v56 =	vor.u32 s5, v6;
	v10 =	vld.idx.msk [tilespmem:v10+s28+$0x0], $0xffff  }
0x16b: {  	v58 =	vor.u32 s5, v8;
	v11 =	vld.idx.msk [tilespmem:v11+s29+$0x0], $0xffff  }
0x16c: {  	v57 =	vor.u32 s0, v8;
	v12 =	vld.idx.msk [tilespmem:v53+s28+$0x0], $0xffff  }
0x16d: {  	v13 =	vld.idx.msk [tilespmem:v54+s29+$0x0], $0xffff  }
0x16e: {  	v14 =	vld.idx.msk [tilespmem:v55+s28+$0x0], $0xffff  }
0x16f: {  	v15 =	vld.idx.msk [tilespmem:v56+s29+$0x0], $0xffff  }
0x170: {  	v59 =	vld.idx.msk [tilespmem:v58+s29+$0x0], $0xffff;
	v10 =	vmul.f32 v11, v10  }
0x171: {  	v11 =	vld.idx.msk [tilespmem:v57+s28+$0x0], $0xffff  }
0x172: {  	v12 =	vmul.f32 v13, v12;
	v10 =	vadd.f32 $0.0e+00, v10;
	_ =	sdelay $0x1  }
0x173: {  	v60 =	vmul.f32 v15, v14;
	v10 =	vadd.f32 v12, v10;
	_ =	sdelay $0x1  }
0x174: {  	v11 =	vmul.f32 v59, v11;
	v10 =	vadd.f32 v60, v10;
	_ =	sdelay $0x1  }
0x175: {  	v10 =	vadd.f32 v11, v10;
	_ =	sdelay $0x1  }
0x176: {  	v11 =	vperm.xlane v10, v4;
	_ =	sdelay $0x1  }
0x177: {  	v10 =	vadd.f32 v10, v11;
	_ =	sdelay $0x1  }
0x178: {  	v11 =	vperm.xlane v10, v5;
	_ =	sdelay $0x1  }
0x179: {  	v61 =	vmov s0;
	v10 =	vadd.f32 v10, v11;
	_ =	sdelay $0x1  }
0x17a: {  	v11 =	vmov s5;
	v62 =	vperm.xlane v10, v7;
	_ =	sdelay $0x1  }
0x17b: {  	v10 =	vadd.f32 v10, v62  }
0x17c: {  	v12 =	vld.idx.msk [tilespmem:v61+s7+$0x0], $0xffff  }
0x17d: {  	v13 =	vperm.xlane v10, v9  }
0x17e: {  	v11 =	vld.idx.msk [tilespmem:v11+s14+$0x0], $0xffff  }
0x17f: {  	v10 =	vadd.f32 v10, v13;
	_ =	sdelay $0x1  }
0x180: {  	v10 =	vadd.f32 v10, v12;
	_ =	sdelay $0x1  }
0x181: {  	v10 =	vadd.f32 v10, v11;
	v11 =	vld [tilespmem:s31+$0x10900]  }
0x182: {  	s24 =	sor.u32 $0x3, s9  }
0x183: {  	v63 =	vmov s24;
	v10 =	vadd.f32 $7.000000000e+00, v10  }
.Ltmp2:
0x184: {  	vm15 =	veq.s32 v63, v0;
	(pc) =	sbr.rel @p0 .LBB2_4-.Ltmp2, $3  }
0x185: {  	v10 =	vnsel vm15, $0x0, v10  }
0x186: {  	v10 =	vadd.f32 v10, v11;
	_ =	sdelay $0x1  }
0x187: {  	s7 =	simm.s32 $0x10680;
	s14 =	simm.s32 $0x10880;
	[tilespmem:s31+$0x10900] =	vst v10  }
0x188: {  	v10 =	vld [tilespmem:s26+$0x3]  }
0x189: {  	v11 =	vld [tilespmem:s25+$0x3];
	_ =	sdelay $0x3  }
0x18a: {  	(v2sf) =	vpush v10, $0x0  }
0x18b: {  	(v2sf) =	vpush v11, $0x0;
	_ =	sdelay $0xd  }
0x18c: {  	s9 =	simm.s32 $0x400;
	s0 =	spop (v2sf)  }
0x18d: {  	s10 =	simm.s32 $0x7A1400;
	s5 =	sand.u32 $0x1FFFFF80, s0;
	s6 =	spop (v2sf)  }
0x18e: {  	s0 =	sshrl.u32 s0, $0x3;
	s5 =	sadd.s32 s1, s5;
	s22 =	sand.u32 $0x1FFFFF80, s6  }
0x18f: {  	[tilespmem:s28], [sflag:$0x4] =	stream.strided.gather [hbm4b:s5+s9], $0x2000, s10, s9, $0x38;
	[tilespmem:$0x10B00] =	vst v63  }
0x190: {  	s0 =	sand.u32 $0x1FFFFFF0, s0;
	s5 =	sadd.s32 s2, s22  }
0x191: {  	[tilespmem:s29], [sflag:$0x8] =	stream.strided.gather [hbm4b:s5+s9], $0x2000, s10, s9, $0x38;
	[tilespmem:$0x10B00] =	vst v63  }
0x192: {  	s24 =	simm.s32 $0x0;
	s0 =	sadd.s32 s3, s0  }
0x193: {  	[tilespmem:s7], [sflag:$0xC] =	stream.linear.gather [hbm4b:s0+s24], $0x80, $0x38;
	[tilespmem:$0x10B00] =	vst v63  }
.Ltmp3:
0x194: {  	s31 =	sshrl.u32 s6, $0x3;
	(pc) =	sbr.rel .LBB2_2-.Ltmp3, $4  }
0x195: {  	s0 =	sand.u32 $0x1FFFFFF0, s31  }
0x196: {  	s30 =	sadd.s32 $0x4, s30;
	s25 =	sadd.s32 $0x4, s25;
	s0 =	sadd.s32 s4, s0  }
0x197: {  	[tilespmem:s14], [sflag:$0xC] =	stream.linear.gather [hbm4b:s0+s24], $0x80, $0x38;
	[tilespmem:$0x10B00] =	vst v63  }
0x198: {  	s26 =	sadd.s32 $0x4, s26;
	s7 =	simm.s32 $0x10680;
	s14 =	simm.s32 $0x10880  }
.LBB2_5:
0x199: {  	_ =	sfence.sel $0x180000  }
0x19a: {  	[bflag:$0x0] =	sbarrier.arrive $0xFFFF  }
0x19b: {  	_ =	strace $0x90000047  }
0x19c: {  	s0 =	stileid.u32;
	[bflag:$0x2] =	sbarrier.arrive $0xFFFF  }
0x19d: {  	p0 =	sne.s32 s0, $0x0;
	s0 =	rddreg [dreg:$0x7]  }
0x19e: {  	s0 =	sadd.s32 @!p0 $0x100000, s0  }
0x19f: {  	[sflag:s0] =	ssyncadd.tile.s32 @!p0 $0x1;
	_ =	shalt  }
.Lfunc_end2:
_tile_overlayer_lowered:
.L_overlay_start_2:
0x1a0: {  	(tag) =	ssettag $0x2  }
0x1a1: {  	s0 =	rddreg [dreg:$0x0];
	s2 =	stileid.u32  }
0x1a2: {  	s1 =	rddreg [dreg:$0x1];
	p0 =	sne.s32 s2, $0x0  }
0x1a3: {  	s3 =	rddreg [dreg:$0x2];
	[bflag:$0x3] =	sbarrier.arrive $0xFFFF;
	s2 =	simm.s32 @!p0 $0x1C0D  }
0x1a4: {  	[timem:s3], [sflag:s2] =	dma.local @!p0 [hbm:s0], s1  }
0x1a5: {  	s0 =	simm.s32 @!p0 $0xD  }
0x1a6: {  	_ =	swait.ge @!p0 [sflag:s0], s1  }
0x1a7: {  	s1 =	ssub.s32 @!p0 $0x0, s1;
	[sflag:s0] =	ssyncset.done @!p0 $0x0  }
0x1a8: {  	[sflag:s0] =	ssyncadd.s32 @!p0 s1  }
0x1a9: {  	[bflag:$0x3] =	sbarrier.arrive $0xFFFF  }
0x1aa: {  	_ =	shalt  }

</sc_bundles>
